<compile_context>
chip_gen: v7x
topology: tpu7x:2x2x1
jax: 0.10.2.dev20260603
libtpu: 0.0.44.dev20260713+nightly
codegen_flags: <defaults>
</compile_context>

<pallas_src>
import functools

import jax
import jax.numpy as jnp
from jax import lax
from jax.experimental import pallas as pl
from jax.experimental.pallas import tpu as pltpu
from jax.experimental.pallas import tpu_sc as plsc

_ROWS = 4096
_COLS = 4096
_BLOCK = 512

_NC = 2
_NS = 16
_NW = _NC * _NS
_R_SC = 512
_W = _R_SC // _NW
_CH = 8
_NCH = _W // _CH
_JV = _COLS // 16


def _tc_body(x_ref, out_ref):
    i = pl.program_id(0)
    m = (x_ref[...] != 0.0).astype(jnp.float32)
    sel = lax.broadcasted_iota(jnp.int32, (2, _BLOCK), 0) == 0
    lane = lax.broadcasted_iota(jnp.int32, (2, _BLOCK), 1).astype(jnp.float32)
    w = jnp.where(sel, lane, 1.0)
    r = lax.dot_general(w, m, (((1,), (0,)), ((), ())),
                        preferred_element_type=jnp.float32)
    ri = r.astype(jnp.int32)
    col_ids = lax.broadcasted_iota(jnp.int32, (1, _COLS), 1)
    s_local = jnp.sum(ri[0:1])
    nnz = jnp.sum(ri[1:2])
    p_row = s_local + (_R_SC + i * _BLOCK) * nnz
    p_col = jnp.sum(ri[1:2] * col_ids)

    @pl.when(i == 0)
    def _init():
        out_ref[0] = 0
        out_ref[1] = 0

    out_ref[0] += p_row
    out_ref[1] += p_col


def _tc_part(x):
    return pl.pallas_call(
        _tc_body,
        grid=((_ROWS - _R_SC) // _BLOCK,),
        in_specs=[pl.BlockSpec((_BLOCK, _COLS), lambda i: (i + _R_SC // _BLOCK, 0))],
        out_specs=pl.BlockSpec(memory_space=pltpu.SMEM),
        out_shape=jax.ShapeDtypeStruct((2,), jnp.int32),
    )(x)


def _sc_chunk(buf, base, rowpart, colpart):
    def jbody(j, carry):
        rowpart, colpart = carry
        col0 = j * 16
        colcnt = jnp.zeros((16,), jnp.int32)
        rweight = jnp.zeros((16,), jnp.int32)
        for r in range(_CH):
            xv = buf[r, pl.ds(col0, 16)]
            one = jnp.where(xv == 0.0, jnp.int32(0), jnp.int32(1))
            colcnt = colcnt + one
            if r:
                rweight = rweight + r * one
        rowpart = rowpart + base * colcnt + rweight
        colpart = colpart + colcnt * (lax.iota(jnp.int32, 16) + col0)
        return rowpart, colpart

    return lax.fori_loop(0, _JV, jbody, (rowpart, colpart))


def _sc_kernel(x_hbm, out_hbm, buf0, buf1, ovec, sem0, sem1):
    wid = lax.axis_index("s") * _NC + lax.axis_index("c")
    row0 = wid * _W
    bufs = (buf0, buf1)
    sems = (sem0, sem1)
    copies = [None] * _NCH
    copies[0] = pltpu.async_copy(x_hbm.at[pl.ds(row0, _CH)], buf0, sem0)
    rowpart = jnp.zeros((16,), jnp.int32)
    colpart = jnp.zeros((16,), jnp.int32)
    for c in range(_NCH):
        if c + 1 < _NCH:
            copies[c + 1] = pltpu.async_copy(
                x_hbm.at[pl.ds(row0 + (c + 1) * _CH, _CH)],
                bufs[(c + 1) % 2], sems[(c + 1) % 2])
        copies[c].wait()
        rowpart, colpart = _sc_chunk(bufs[c % 2], row0 + c * _CH,
                                     rowpart, colpart)
    ovec[0] = rowpart
    ovec[1] = colpart
    pltpu.sync_copy(ovec, out_hbm.at[wid])


def _sc_part(x):
    mesh = plsc.VectorSubcoreMesh(core_axis_name="c", subcore_axis_name="s")
    run = functools.partial(
        pl.kernel,
        mesh=mesh,
        out_type=jax.ShapeDtypeStruct((_NW, 2, 16), jnp.int32),
        scratch_types=[
            pltpu.VMEM((_CH, _COLS), jnp.float32),
            pltpu.VMEM((_CH, _COLS), jnp.float32),
            pltpu.VMEM((2, 16), jnp.int32),
            pltpu.SemaphoreType.DMA,
            pltpu.SemaphoreType.DMA,
        ],
    )(_sc_kernel)
    return run(x)


def kernel(inputs):
    sc = _sc_part(inputs)
    tc = _tc_part(inputs)
    return tc + jnp.sum(sc, axis=(0, 2))

# --- scband reference (transcript-rebuilt; emitter-appended) ---
"""Pipeline reference for scband-ddsop-with-reduction-op-model-10230612099745 (READ-ONLY COPY).

The authoritative reference and input builder live on the scoring server;
editing this copy changes nothing except your own understanding.
"""

import jax, jax.numpy as jnp
import numpy as np


def setup_inputs(seed: int = 0) -> dict:
    key = jax.random.key(seed)
    inputs = jax.random.normal(key, (4096, 4096), dtype=jnp.float32)
    return {"inputs": inputs}


def reference(inputs):
    # torch.ops.aten.nonzero.default -> [nnz, ndim] index matrix
    # torch.ops.aten.sum.dim_IntList(out, 0) -> reduce over the nnz dimension
    # Fixed-shape equivalent: sum of nonzero row indices is the dot of row
    # indices with per-row nonzero counts (likewise for columns).
    mask = inputs != 0
    rows = jnp.arange(inputs.shape[0])
    cols = jnp.arange(inputs.shape[1])
    row_counts = jnp.sum(mask, axis=1).astype(rows.dtype)
    col_counts = jnp.sum(mask, axis=0).astype(cols.dtype)
    out = jnp.stack([jnp.sum(rows * row_counts), jnp.sum(cols * col_counts)])
    return out

if __name__ == "__main__":
    import jax
    _d = setup_inputs()
    print(jax.jit(kernel)(*tuple(_d.values())))

</pallas_src>

<mosaic_0001>
#map = affine_map<(d0, d1) -> (0, 0)>
#map1 = affine_map<(d0, d1) -> (0, 0, 0)>
module attributes {stable_mosaic.version = 14 : i64} {
  func.func @_sc_kernel(%arg0: i32, %arg1: i32, %arg2: memref<4096x4096xf32, #tpu.memory_space<hbm>>, %arg3: memref<32x2x16xi32, #tpu.memory_space<hbm>>, %arg4: memref<8x4096xf32, #tpu.memory_space<vmem>>, %arg5: memref<8x4096xf32, #tpu.memory_space<vmem>>, %arg6: memref<2x16xi32, #tpu.memory_space<vmem>>, %arg7: memref<!tpu.dma_semaphore, #tpu.memory_space<semaphore_mem>>, %arg8: memref<!tpu.dma_semaphore, #tpu.memory_space<semaphore_mem>>) attributes {dimension_semantics = [#tpu.dimension_semantics<core_parallel>, #tpu.dimension_semantics<subcore_parallel>], iteration_bounds = array<i64: 2, 16>, scalar_prefetch = 0 : i64, scratch_operands = 5 : i64, tpu.core_type = #tpu.core_type<sc_vector_subcore>, window_params = [{transform_indices = #map}, {transform_indices = #map1}]} {
    %mul3A = arith.constant 2 : i32
    %mul3A_0 = arith.muli %arg1, %mul3A : i32
    %add3A = arith.addi %mul3A_0, %arg0 : i32
    %mul3A_1 = arith.constant 16 : i32
    %mul3A_2 = arith.muli %add3A, %mul3A_1 : i32
    %dma_start3A = arith.constant 0 : i32
    %dma_start3A_3 = tpu.memref_slice %arg2[%mul3A_2, %dma_start3A] : memref<4096x4096xf32, #tpu.memory_space<hbm>> -> memref<8x4096xf32, #tpu.memory_space<hbm>>
    %dma_start3A_4 = arith.constant 0 : i32
    %dma_start3A_5 = tpu.memref_slice %arg2[%mul3A_2, %dma_start3A_4] : memref<4096x4096xf32, #tpu.memory_space<hbm>> -> memref<8x4096xf32, #tpu.memory_space<hbm>>
    tpu.enqueue_dma source(%dma_start3A_5 : memref<8x4096xf32, #tpu.memory_space<hbm>>) target(%arg4 : memref<8x4096xf32, #tpu.memory_space<vmem>>) target_semaphore(%arg7 : memref<!tpu.dma_semaphore, #tpu.memory_space<semaphore_mem>>)
    %broadcast_in_dim3A = arith.constant 0 : i32
    %broadcast_in_dim3A_6 = vector.broadcast %broadcast_in_dim3A : i32 to vector<16xi32>
    %broadcast_in_dim3A_7 = arith.constant 0 : i32
    %broadcast_in_dim3A_8 = vector.broadcast %broadcast_in_dim3A_7 : i32 to vector<16xi32>
    %add3A_9 = arith.constant 8 : i32
    %add3A_10 = arith.addi %mul3A_2, %add3A_9 : i32
    %dma_start3A_11 = arith.constant 0 : i32
    %dma_start3A_12 = tpu.memref_slice %arg2[%add3A_10, %dma_start3A_11] : memref<4096x4096xf32, #tpu.memory_space<hbm>> -> memref<8x4096xf32, #tpu.memory_space<hbm>>
    %dma_start3A_13 = arith.constant 0 : i32
    %dma_start3A_14 = tpu.memref_slice %arg2[%add3A_10, %dma_start3A_13] : memref<4096x4096xf32, #tpu.memory_space<hbm>> -> memref<8x4096xf32, #tpu.memory_space<hbm>>
    tpu.enqueue_dma source(%dma_start3A_14 : memref<8x4096xf32, #tpu.memory_space<hbm>>) target(%arg5 : memref<8x4096xf32, #tpu.memory_space<vmem>>) target_semaphore(%arg8 : memref<!tpu.dma_semaphore, #tpu.memory_space<semaphore_mem>>)
    %dma_wait3A = arith.constant 0 : i32
    %dma_wait3A_15 = tpu.memref_slice %arg2[%mul3A_2, %dma_wait3A] : memref<4096x4096xf32, #tpu.memory_space<hbm>> -> memref<8x4096xf32, #tpu.memory_space<hbm>>
    %dma_wait3A_16 = arith.constant 0 : i32
    %dma_wait3A_17 = tpu.memref_slice %arg2[%mul3A_2, %dma_wait3A_16] : memref<4096x4096xf32, #tpu.memory_space<hbm>> -> memref<8x4096xf32, #tpu.memory_space<hbm>>
    tpu.wait_dma2 semaphore(%arg7 : memref<!tpu.dma_semaphore, #tpu.memory_space<semaphore_mem>>) src(%dma_wait3A_17 : memref<8x4096xf32, #tpu.memory_space<hbm>>) dst(%arg4 : memref<8x4096xf32, #tpu.memory_space<vmem>>)
    %add3A_18 = arith.constant 0 : i32
    %add3A_19 = arith.addi %mul3A_2, %add3A_18 : i32
    %scan3A = arith.constant 0 : i32
    %scan3A_20 = arith.constant 256 : i32
    %scan3A_21 = arith.addi %scan3A, %scan3A_20 : i32
    %scan3A_22 = arith.constant 1 : i32
    %scan3A_23:2 = scf.for %scan3A_48 = %scan3A to %scan3A_21 step %scan3A_22 iter_args(%scan3A_49 = %broadcast_in_dim3A_6, %scan3A_50 = %broadcast_in_dim3A_8) -> (vector<16xi32>, vector<16xi32>)  : i32 {
      %mul3A_51 = arith.constant 16 : i32
      %mul3A_52 = arith.muli %scan3A_48, %mul3A_51 : i32
      %broadcast_in_dim3A_53 = arith.constant 0 : i32
      %broadcast_in_dim3A_54 = vector.broadcast %broadcast_in_dim3A_53 : i32 to vector<16xi32>
      %broadcast_in_dim3A_55 = arith.constant 0 : i32
      %broadcast_in_dim3A_56 = vector.broadcast %broadcast_in_dim3A_55 : i32 to vector<16xi32>
      %get3A = arith.constant 0 : i32
      %get3A_57 = arith.index_cast %get3A : i32 to index
      %get3A_58 = arith.index_cast %mul3A_52 : i32 to index
      %get3A_59 = tpu.vector_load %arg4[%get3A_57, %get3A_58] {strides = array<i32>} : memref<8x4096xf32, #tpu.memory_space<vmem>>, vector<1x16xf32>,
      %get3A_60 = vector.shape_cast %get3A_59 : vector<1x16xf32> to vector<16xf32>
      %eq3A = arith.constant 0.000000e+00 : f32
      %eq3A_61 = vector.broadcast %eq3A : f32 to vector<16xf32>
      %eq3A_62 = arith.cmpf oeq, %get3A_60, %eq3A_61 : vector<16xf32>
      %jit3A = arith.constant 0 : i32
      %jit3A_63 = arith.constant 1 : i32
      %broadcast_in_dim3A_64 = vector.broadcast %jit3A : i32 to vector<16xi32>
      %broadcast_in_dim3A_65 = vector.broadcast %jit3A_63 : i32 to vector<16xi32>
      %select_n3A = arith.select %eq3A_62, %broadcast_in_dim3A_64, %broadcast_in_dim3A_65 : vector<16xi1>, vector<16xi32>
      %add3A_66 = arith.addi %broadcast_in_dim3A_54, %select_n3A : vector<16xi32>
      %get3A_67 = arith.constant 1 : i32
      %get3A_68 = arith.index_cast %get3A_67 : i32 to index
      %get3A_69 = arith.index_cast %mul3A_52 : i32 to index
      %get3A_70 = tpu.vector_load %arg4[%get3A_68, %get3A_69] {strides = array<i32>} : memref<8x4096xf32, #tpu.memory_space<vmem>>, vector<1x16xf32>,
      %get3A_71 = vector.shape_cast %get3A_70 : vector<1x16xf32> to vector<16xf32>
      %eq3A_72 = arith.constant 0.000000e+00 : f32
      %eq3A_73 = vector.broadcast %eq3A_72 : f32 to vector<16xf32>
      %eq3A_74 = arith.cmpf oeq, %get3A_71, %eq3A_73 : vector<16xf32>
      %jit3A_75 = arith.constant 0 : i32
      %jit3A_76 = arith.constant 1 : i32
      %broadcast_in_dim3A_77 = vector.broadcast %jit3A_75 : i32 to vector<16xi32>
      %broadcast_in_dim3A_78 = vector.broadcast %jit3A_76 : i32 to vector<16xi32>
      %select_n3A_79 = arith.select %eq3A_74, %broadcast_in_dim3A_77, %broadcast_in_dim3A_78 : vector<16xi1>, vector<16xi32>
      %add3A_80 = arith.addi %add3A_66, %select_n3A_79 : vector<16xi32>
      %mul3A_81 = arith.constant 1 : i32
      %mul3A_82 = vector.broadcast %mul3A_81 : i32 to vector<16xi32>
      %mul3A_83 = arith.muli %mul3A_82, %select_n3A_79 : vector<16xi32>
      %add3A_84 = arith.addi %broadcast_in_dim3A_56, %mul3A_83 : vector<16xi32>
      %get3A_85 = arith.constant 2 : i32
      %get3A_86 = arith.index_cast %get3A_85 : i32 to index
      %get3A_87 = arith.index_cast %mul3A_52 : i32 to index
      %get3A_88 = tpu.vector_load %arg4[%get3A_86, %get3A_87] {strides = array<i32>} : memref<8x4096xf32, #tpu.memory_space<vmem>>, vector<1x16xf32>,
      %get3A_89 = vector.shape_cast %get3A_88 : vector<1x16xf32> to vector<16xf32>
      %eq3A_90 = arith.constant 0.000000e+00 : f32
      %eq3A_91 = vector.broadcast %eq3A_90 : f32 to vector<16xf32>
      %eq3A_92 = arith.cmpf oeq, %get3A_89, %eq3A_91 : vector<16xf32>
      %jit3A_93 = arith.constant 0 : i32
      %jit3A_94 = arith.constant 1 : i32
      %broadcast_in_dim3A_95 = vector.broadcast %jit3A_93 : i32 to vector<16xi32>
      %broadcast_in_dim3A_96 = vector.broadcast %jit3A_94 : i32 to vector<16xi32>
      %select_n3A_97 = arith.select %eq3A_92, %broadcast_in_dim3A_95, %broadcast_in_dim3A_96 : vector<16xi1>, vector<16xi32>
      %add3A_98 = arith.addi %add3A_80, %select_n3A_97 : vector<16xi32>
      %mul3A_99 = arith.constant 2 : i32
      %mul3A_100 = vector.broadcast %mul3A_99 : i32 to vector<16xi32>
      %mul3A_101 = arith.muli %mul3A_100, %select_n3A_97 : vector<16xi32>
      %add3A_102 = arith.addi %add3A_84, %mul3A_101 : vector<16xi32>
      %get3A_103 = arith.constant 3 : i32
      %get3A_104 = arith.index_cast %get3A_103 : i32 to index
      %get3A_105 = arith.index_cast %mul3A_52 : i32 to index
      %get3A_106 = tpu.vector_load %arg4[%get3A_104, %get3A_105] {strides = array<i32>} : memref<8x4096xf32, #tpu.memory_space<vmem>>, vector<1x16xf32>,
      %get3A_107 = vector.shape_cast %get3A_106 : vector<1x16xf32> to vector<16xf32>
      %eq3A_108 = arith.constant 0.000000e+00 : f32
      %eq3A_109 = vector.broadcast %eq3A_108 : f32 to vector<16xf32>
      %eq3A_110 = arith.cmpf oeq, %get3A_107, %eq3A_109 : vector<16xf32>
      %jit3A_111 = arith.constant 0 : i32
      %jit3A_112 = arith.constant 1 : i32
      %broadcast_in_dim3A_113 = vector.broadcast %jit3A_111 : i32 to vector<16xi32>
      %broadcast_in_dim3A_114 = vector.broadcast %jit3A_112 : i32 to vector<16xi32>
      %select_n3A_115 = arith.select %eq3A_110, %broadcast_in_dim3A_113, %broadcast_in_dim3A_114 : vector<16xi1>, vector<16xi32>
      %add3A_116 = arith.addi %add3A_98, %select_n3A_115 : vector<16xi32>
      %mul3A_117 = arith.constant 3 : i32
      %mul3A_118 = vector.broadcast %mul3A_117 : i32 to vector<16xi32>
      %mul3A_119 = arith.muli %mul3A_118, %select_n3A_115 : vector<16xi32>
      %add3A_120 = arith.addi %add3A_102, %mul3A_119 : vector<16xi32>
      %get3A_121 = arith.constant 4 : i32
      %get3A_122 = arith.index_cast %get3A_121 : i32 to index
      %get3A_123 = arith.index_cast %mul3A_52 : i32 to index
      %get3A_124 = tpu.vector_load %arg4[%get3A_122, %get3A_123] {strides = array<i32>} : memref<8x4096xf32, #tpu.memory_space<vmem>>, vector<1x16xf32>,
      %get3A_125 = vector.shape_cast %get3A_124 : vector<1x16xf32> to vector<16xf32>
      %eq3A_126 = arith.constant 0.000000e+00 : f32
      %eq3A_127 = vector.broadcast %eq3A_126 : f32 to vector<16xf32>
      %eq3A_128 = arith.cmpf oeq, %get3A_125, %eq3A_127 : vector<16xf32>
      %jit3A_129 = arith.constant 0 : i32
      %jit3A_130 = arith.constant 1 : i32
      %broadcast_in_dim3A_131 = vector.broadcast %jit3A_129 : i32 to vector<16xi32>
      %broadcast_in_dim3A_132 = vector.broadcast %jit3A_130 : i32 to vector<16xi32>
      %select_n3A_133 = arith.select %eq3A_128, %broadcast_in_dim3A_131, %broadcast_in_dim3A_132 : vector<16xi1>, vector<16xi32>
      %add3A_134 = arith.addi %add3A_116, %select_n3A_133 : vector<16xi32>
      %mul3A_135 = arith.constant 4 : i32
      %mul3A_136 = vector.broadcast %mul3A_135 : i32 to vector<16xi32>
      %mul3A_137 = arith.muli %mul3A_136, %select_n3A_133 : vector<16xi32>
      %add3A_138 = arith.addi %add3A_120, %mul3A_137 : vector<16xi32>
      %get3A_139 = arith.constant 5 : i32
      %get3A_140 = arith.index_cast %get3A_139 : i32 to index
      %get3A_141 = arith.index_cast %mul3A_52 : i32 to index
      %get3A_142 = tpu.vector_load %arg4[%get3A_140, %get3A_141] {strides = array<i32>} : memref<8x4096xf32, #tpu.memory_space<vmem>>, vector<1x16xf32>,
      %get3A_143 = vector.shape_cast %get3A_142 : vector<1x16xf32> to vector<16xf32>
      %eq3A_144 = arith.constant 0.000000e+00 : f32
      %eq3A_145 = vector.broadcast %eq3A_144 : f32 to vector<16xf32>
      %eq3A_146 = arith.cmpf oeq, %get3A_143, %eq3A_145 : vector<16xf32>
      %jit3A_147 = arith.constant 0 : i32
      %jit3A_148 = arith.constant 1 : i32
      %broadcast_in_dim3A_149 = vector.broadcast %jit3A_147 : i32 to vector<16xi32>
      %broadcast_in_dim3A_150 = vector.broadcast %jit3A_148 : i32 to vector<16xi32>
      %select_n3A_151 = arith.select %eq3A_146, %broadcast_in_dim3A_149, %broadcast_in_dim3A_150 : vector<16xi1>, vector<16xi32>
      %add3A_152 = arith.addi %add3A_134, %select_n3A_151 : vector<16xi32>
      %mul3A_153 = arith.constant 5 : i32
      %mul3A_154 = vector.broadcast %mul3A_153 : i32 to vector<16xi32>
      %mul3A_155 = arith.muli %mul3A_154, %select_n3A_151 : vector<16xi32>
      %add3A_156 = arith.addi %add3A_138, %mul3A_155 : vector<16xi32>
      %get3A_157 = arith.constant 6 : i32
      %get3A_158 = arith.index_cast %get3A_157 : i32 to index
      %get3A_159 = arith.index_cast %mul3A_52 : i32 to index
      %get3A_160 = tpu.vector_load %arg4[%get3A_158, %get3A_159] {strides = array<i32>} : memref<8x4096xf32, #tpu.memory_space<vmem>>, vector<1x16xf32>,
      %get3A_161 = vector.shape_cast %get3A_160 : vector<1x16xf32> to vector<16xf32>
      %eq3A_162 = arith.constant 0.000000e+00 : f32
      %eq3A_163 = vector.broadcast %eq3A_162 : f32 to vector<16xf32>
      %eq3A_164 = arith.cmpf oeq, %get3A_161, %eq3A_163 : vector<16xf32>
      %jit3A_165 = arith.constant 0 : i32
      %jit3A_166 = arith.constant 1 : i32
      %broadcast_in_dim3A_167 = vector.broadcast %jit3A_165 : i32 to vector<16xi32>
      %broadcast_in_dim3A_168 = vector.broadcast %jit3A_166 : i32 to vector<16xi32>
      %select_n3A_169 = arith.select %eq3A_164, %broadcast_in_dim3A_167, %broadcast_in_dim3A_168 : vector<16xi1>, vector<16xi32>
      %add3A_170 = arith.addi %add3A_152, %select_n3A_169 : vector<16xi32>
      %mul3A_171 = arith.constant 6 : i32
      %mul3A_172 = vector.broadcast %mul3A_171 : i32 to vector<16xi32>
      %mul3A_173 = arith.muli %mul3A_172, %select_n3A_169 : vector<16xi32>
      %add3A_174 = arith.addi %add3A_156, %mul3A_173 : vector<16xi32>
      %get3A_175 = arith.constant 7 : i32
      %get3A_176 = arith.index_cast %get3A_175 : i32 to index
      %get3A_177 = arith.index_cast %mul3A_52 : i32 to index
      %get3A_178 = tpu.vector_load %arg4[%get3A_176, %get3A_177] {strides = array<i32>} : memref<8x4096xf32, #tpu.memory_space<vmem>>, vector<1x16xf32>,
      %get3A_179 = vector.shape_cast %get3A_178 : vector<1x16xf32> to vector<16xf32>
      %eq3A_180 = arith.constant 0.000000e+00 : f32
      %eq3A_181 = vector.broadcast %eq3A_180 : f32 to vector<16xf32>
      %eq3A_182 = arith.cmpf oeq, %get3A_179, %eq3A_181 : vector<16xf32>
      %jit3A_183 = arith.constant 0 : i32
      %jit3A_184 = arith.constant 1 : i32
      %broadcast_in_dim3A_185 = vector.broadcast %jit3A_183 : i32 to vector<16xi32>
      %broadcast_in_dim3A_186 = vector.broadcast %jit3A_184 : i32 to vector<16xi32>
      %select_n3A_187 = arith.select %eq3A_182, %broadcast_in_dim3A_185, %broadcast_in_dim3A_186 : vector<16xi1>, vector<16xi32>
      %add3A_188 = arith.addi %add3A_170, %select_n3A_187 : vector<16xi32>
      %mul3A_189 = arith.constant 7 : i32
      %mul3A_190 = vector.broadcast %mul3A_189 : i32 to vector<16xi32>
      %mul3A_191 = arith.muli %mul3A_190, %select_n3A_187 : vector<16xi32>
      %add3A_192 = arith.addi %add3A_174, %mul3A_191 : vector<16xi32>
      %mul3A_193 = vector.broadcast %add3A_19 : i32 to vector<16xi32>
      %mul3A_194 = arith.muli %mul3A_193, %add3A_188 : vector<16xi32>
      %add3A_195 = arith.addi %scan3A_49, %mul3A_194 : vector<16xi32>
      %add3A_196 = arith.addi %add3A_195, %add3A_192 : vector<16xi32>
      %iota3A = tpu.iota {dimensions = array<i32: 0>} : vector<16xi32>
      %add3A_197 = vector.broadcast %mul3A_52 : i32 to vector<16xi32>
      %add3A_198 = arith.addi %iota3A, %add3A_197 : vector<16xi32>
      %mul3A_199 = arith.muli %add3A_188, %add3A_198 : vector<16xi32>
      %add3A_200 = arith.addi %scan3A_50, %mul3A_199 : vector<16xi32>
      scf.yield %add3A_196, %add3A_200 : vector<16xi32>, vector<16xi32>
    }
    %scan3A_24 = arith.constant 256 : i32
    %dma_wait3A_25 = arith.constant 0 : i32
    %dma_wait3A_26 = tpu.memref_slice %arg2[%add3A_10, %dma_wait3A_25] : memref<4096x4096xf32, #tpu.memory_space<hbm>> -> memref<8x4096xf32, #tpu.memory_space<hbm>>
    %dma_wait3A_27 = arith.constant 0 : i32
    %dma_wait3A_28 = tpu.memref_slice %arg2[%add3A_10, %dma_wait3A_27] : memref<4096x4096xf32, #tpu.memory_space<hbm>> -> memref<8x4096xf32, #tpu.memory_space<hbm>>
    tpu.wait_dma2 semaphore(%arg8 : memref<!tpu.dma_semaphore, #tpu.memory_space<semaphore_mem>>) src(%dma_wait3A_28 : memref<8x4096xf32, #tpu.memory_space<hbm>>) dst(%arg5 : memref<8x4096xf32, #tpu.memory_space<vmem>>)
    %add3A_29 = arith.constant 8 : i32
    %add3A_30 = arith.addi %mul3A_2, %add3A_29 : i32
    %scan3A_31 = arith.constant 0 : i32
    %scan3A_32 = arith.constant 256 : i32
    %scan3A_33 = arith.addi %scan3A_31, %scan3A_32 : i32
    %scan3A_34 = arith.constant 1 : i32
    %scan3A_35:2 = scf.for %scan3A_48 = %scan3A_31 to %scan3A_33 step %scan3A_34 iter_args(%scan3A_49 = %scan3A_23#0, %scan3A_50 = %scan3A_23#1) -> (vector<16xi32>, vector<16xi32>)  : i32 {
      %mul3A_51 = arith.constant 16 : i32
      %mul3A_52 = arith.muli %scan3A_48, %mul3A_51 : i32
      %broadcast_in_dim3A_53 = arith.constant 0 : i32
      %broadcast_in_dim3A_54 = vector.broadcast %broadcast_in_dim3A_53 : i32 to vector<16xi32>
      %broadcast_in_dim3A_55 = arith.constant 0 : i32
      %broadcast_in_dim3A_56 = vector.broadcast %broadcast_in_dim3A_55 : i32 to vector<16xi32>
      %get3A = arith.constant 0 : i32
      %get3A_57 = arith.index_cast %get3A : i32 to index
      %get3A_58 = arith.index_cast %mul3A_52 : i32 to index
      %get3A_59 = tpu.vector_load %arg5[%get3A_57, %get3A_58] {strides = array<i32>} : memref<8x4096xf32, #tpu.memory_space<vmem>>, vector<1x16xf32>,
      %get3A_60 = vector.shape_cast %get3A_59 : vector<1x16xf32> to vector<16xf32>
      %eq3A = arith.constant 0.000000e+00 : f32
      %eq3A_61 = vector.broadcast %eq3A : f32 to vector<16xf32>
      %eq3A_62 = arith.cmpf oeq, %get3A_60, %eq3A_61 : vector<16xf32>
      %jit3A = arith.constant 0 : i32
      %jit3A_63 = arith.constant 1 : i32
      %broadcast_in_dim3A_64 = vector.broadcast %jit3A : i32 to vector<16xi32>
      %broadcast_in_dim3A_65 = vector.broadcast %jit3A_63 : i32 to vector<16xi32>
      %select_n3A = arith.select %eq3A_62, %broadcast_in_dim3A_64, %broadcast_in_dim3A_65 : vector<16xi1>, vector<16xi32>
      %add3A_66 = arith.addi %broadcast_in_dim3A_54, %select_n3A : vector<16xi32>
      %get3A_67 = arith.constant 1 : i32
      %get3A_68 = arith.index_cast %get3A_67 : i32 to index
      %get3A_69 = arith.index_cast %mul3A_52 : i32 to index
      %get3A_70 = tpu.vector_load %arg5[%get3A_68, %get3A_69] {strides = array<i32>} : memref<8x4096xf32, #tpu.memory_space<vmem>>, vector<1x16xf32>,
      %get3A_71 = vector.shape_cast %get3A_70 : vector<1x16xf32> to vector<16xf32>
      %eq3A_72 = arith.constant 0.000000e+00 : f32
      %eq3A_73 = vector.broadcast %eq3A_72 : f32 to vector<16xf32>
      %eq3A_74 = arith.cmpf oeq, %get3A_71, %eq3A_73 : vector<16xf32>
      %jit3A_75 = arith.constant 0 : i32
      %jit3A_76 = arith.constant 1 : i32
      %broadcast_in_dim3A_77 = vector.broadcast %jit3A_75 : i32 to vector<16xi32>
      %broadcast_in_dim3A_78 = vector.broadcast %jit3A_76 : i32 to vector<16xi32>
      %select_n3A_79 = arith.select %eq3A_74, %broadcast_in_dim3A_77, %broadcast_in_dim3A_78 : vector<16xi1>, vector<16xi32>
      %add3A_80 = arith.addi %add3A_66, %select_n3A_79 : vector<16xi32>
      %mul3A_81 = arith.constant 1 : i32
      %mul3A_82 = vector.broadcast %mul3A_81 : i32 to vector<16xi32>
      %mul3A_83 = arith.muli %mul3A_82, %select_n3A_79 : vector<16xi32>
      %add3A_84 = arith.addi %broadcast_in_dim3A_56, %mul3A_83 : vector<16xi32>
      %get3A_85 = arith.constant 2 : i32
      %get3A_86 = arith.index_cast %get3A_85 : i32 to index
      %get3A_87 = arith.index_cast %mul3A_52 : i32 to index
      %get3A_88 = tpu.vector_load %arg5[%get3A_86, %get3A_87] {strides = array<i32>} : memref<8x4096xf32, #tpu.memory_space<vmem>>, vector<1x16xf32>,
      %get3A_89 = vector.shape_cast %get3A_88 : vector<1x16xf32> to vector<16xf32>
      %eq3A_90 = arith.constant 0.000000e+00 : f32
      %eq3A_91 = vector.broadcast %eq3A_90 : f32 to vector<16xf32>
      %eq3A_92 = arith.cmpf oeq, %get3A_89, %eq3A_91 : vector<16xf32>
      %jit3A_93 = arith.constant 0 : i32
      %jit3A_94 = arith.constant 1 : i32
      %broadcast_in_dim3A_95 = vector.broadcast %jit3A_93 : i32 to vector<16xi32>
      %broadcast_in_dim3A_96 = vector.broadcast %jit3A_94 : i32 to vector<16xi32>
      %select_n3A_97 = arith.select %eq3A_92, %broadcast_in_dim3A_95, %broadcast_in_dim3A_96 : vector<16xi1>, vector<16xi32>
      %add3A_98 = arith.addi %add3A_80, %select_n3A_97 : vector<16xi32>
      %mul3A_99 = arith.constant 2 : i32
      %mul3A_100 = vector.broadcast %mul3A_99 : i32 to vector<16xi32>
      %mul3A_101 = arith.muli %mul3A_100, %select_n3A_97 : vector<16xi32>
      %add3A_102 = arith.addi %add3A_84, %mul3A_101 : vector<16xi32>
      %get3A_103 = arith.constant 3 : i32
      %get3A_104 = arith.index_cast %get3A_103 : i32 to index
      %get3A_105 = arith.index_cast %mul3A_52 : i32 to index
      %get3A_106 = tpu.vector_load %arg5[%get3A_104, %get3A_105] {strides = array<i32>} : memref<8x4096xf32, #tpu.memory_space<vmem>>, vector<1x16xf32>,
      %get3A_107 = vector.shape_cast %get3A_106 : vector<1x16xf32> to vector<16xf32>
      %eq3A_108 = arith.constant 0.000000e+00 : f32
      %eq3A_109 = vector.broadcast %eq3A_108 : f32 to vector<16xf32>
      %eq3A_110 = arith.cmpf oeq, %get3A_107, %eq3A_109 : vector<16xf32>
      %jit3A_111 = arith.constant 0 : i32
      %jit3A_112 = arith.constant 1 : i32
      %broadcast_in_dim3A_113 = vector.broadcast %jit3A_111 : i32 to vector<16xi32>
      %broadcast_in_dim3A_114 = vector.broadcast %jit3A_112 : i32 to vector<16xi32>
      %select_n3A_115 = arith.select %eq3A_110, %broadcast_in_dim3A_113, %broadcast_in_dim3A_114 : vector<16xi1>, vector<16xi32>
      %add3A_116 = arith.addi %add3A_98, %select_n3A_115 : vector<16xi32>
      %mul3A_117 = arith.constant 3 : i32
      %mul3A_118 = vector.broadcast %mul3A_117 : i32 to vector<16xi32>
      %mul3A_119 = arith.muli %mul3A_118, %select_n3A_115 : vector<16xi32>
      %add3A_120 = arith.addi %add3A_102, %mul3A_119 : vector<16xi32>
      %get3A_121 = arith.constant 4 : i32
      %get3A_122 = arith.index_cast %get3A_121 : i32 to index
      %get3A_123 = arith.index_cast %mul3A_52 : i32 to index
      %get3A_124 = tpu.vector_load %arg5[%get3A_122, %get3A_123] {strides = array<i32>} : memref<8x4096xf32, #tpu.memory_space<vmem>>, vector<1x16xf32>,
      %get3A_125 = vector.shape_cast %get3A_124 : vector<1x16xf32> to vector<16xf32>
      %eq3A_126 = arith.constant 0.000000e+00 : f32
      %eq3A_127 = vector.broadcast %eq3A_126 : f32 to vector<16xf32>
      %eq3A_128 = arith.cmpf oeq, %get3A_125, %eq3A_127 : vector<16xf32>
      %jit3A_129 = arith.constant 0 : i32
      %jit3A_130 = arith.constant 1 : i32
      %broadcast_in_dim3A_131 = vector.broadcast %jit3A_129 : i32 to vector<16xi32>
      %broadcast_in_dim3A_132 = vector.broadcast %jit3A_130 : i32 to vector<16xi32>
      %select_n3A_133 = arith.select %eq3A_128, %broadcast_in_dim3A_131, %broadcast_in_dim3A_132 : vector<16xi1>, vector<16xi32>
      %add3A_134 = arith.addi %add3A_116, %select_n3A_133 : vector<16xi32>
      %mul3A_135 = arith.constant 4 : i32
      %mul3A_136 = vector.broadcast %mul3A_135 : i32 to vector<16xi32>
      %mul3A_137 = arith.muli %mul3A_136, %select_n3A_133 : vector<16xi32>
      %add3A_138 = arith.addi %add3A_120, %mul3A_137 : vector<16xi32>
      %get3A_139 = arith.constant 5 : i32
      %get3A_140 = arith.index_cast %get3A_139 : i32 to index
      %get3A_141 = arith.index_cast %mul3A_52 : i32 to index
      %get3A_142 = tpu.vector_load %arg5[%get3A_140, %get3A_141] {strides = array<i32>} : memref<8x4096xf32, #tpu.memory_space<vmem>>, vector<1x16xf32>,
      %get3A_143 = vector.shape_cast %get3A_142 : vector<1x16xf32> to vector<16xf32>
      %eq3A_144 = arith.constant 0.000000e+00 : f32
      %eq3A_145 = vector.broadcast %eq3A_144 : f32 to vector<16xf32>
      %eq3A_146 = arith.cmpf oeq, %get3A_143, %eq3A_145 : vector<16xf32>
      %jit3A_147 = arith.constant 0 : i32
      %jit3A_148 = arith.constant 1 : i32
      %broadcast_in_dim3A_149 = vector.broadcast %jit3A_147 : i32 to vector<16xi32>
      %broadcast_in_dim3A_150 = vector.broadcast %jit3A_148 : i32 to vector<16xi32>
      %select_n3A_151 = arith.select %eq3A_146, %broadcast_in_dim3A_149, %broadcast_in_dim3A_150 : vector<16xi1>, vector<16xi32>
      %add3A_152 = arith.addi %add3A_134, %select_n3A_151 : vector<16xi32>
      %mul3A_153 = arith.constant 5 : i32
      %mul3A_154 = vector.broadcast %mul3A_153 : i32 to vector<16xi32>
      %mul3A_155 = arith.muli %mul3A_154, %select_n3A_151 : vector<16xi32>
      %add3A_156 = arith.addi %add3A_138, %mul3A_155 : vector<16xi32>
      %get3A_157 = arith.constant 6 : i32
      %get3A_158 = arith.index_cast %get3A_157 : i32 to index
      %get3A_159 = arith.index_cast %mul3A_52 : i32 to index
      %get3A_160 = tpu.vector_load %arg5[%get3A_158, %get3A_159] {strides = array<i32>} : memref<8x4096xf32, #tpu.memory_space<vmem>>, vector<1x16xf32>,
      %get3A_161 = vector.shape_cast %get3A_160 : vector<1x16xf32> to vector<16xf32>
      %eq3A_162 = arith.constant 0.000000e+00 : f32
      %eq3A_163 = vector.broadcast %eq3A_162 : f32 to vector<16xf32>
      %eq3A_164 = arith.cmpf oeq, %get3A_161, %eq3A_163 : vector<16xf32>
      %jit3A_165 = arith.constant 0 : i32
      %jit3A_166 = arith.constant 1 : i32
      %broadcast_in_dim3A_167 = vector.broadcast %jit3A_165 : i32 to vector<16xi32>
      %broadcast_in_dim3A_168 = vector.broadcast %jit3A_166 : i32 to vector<16xi32>
      %select_n3A_169 = arith.select %eq3A_164, %broadcast_in_dim3A_167, %broadcast_in_dim3A_168 : vector<16xi1>, vector<16xi32>
      %add3A_170 = arith.addi %add3A_152, %select_n3A_169 : vector<16xi32>
      %mul3A_171 = arith.constant 6 : i32
      %mul3A_172 = vector.broadcast %mul3A_171 : i32 to vector<16xi32>
      %mul3A_173 = arith.muli %mul3A_172, %select_n3A_169 : vector<16xi32>
      %add3A_174 = arith.addi %add3A_156, %mul3A_173 : vector<16xi32>
      %get3A_175 = arith.constant 7 : i32
      %get3A_176 = arith.index_cast %get3A_175 : i32 to index
      %get3A_177 = arith.index_cast %mul3A_52 : i32 to index
      %get3A_178 = tpu.vector_load %arg5[%get3A_176, %get3A_177] {strides = array<i32>} : memref<8x4096xf32, #tpu.memory_space<vmem>>, vector<1x16xf32>,
      %get3A_179 = vector.shape_cast %get3A_178 : vector<1x16xf32> to vector<16xf32>
      %eq3A_180 = arith.constant 0.000000e+00 : f32
      %eq3A_181 = vector.broadcast %eq3A_180 : f32 to vector<16xf32>
      %eq3A_182 = arith.cmpf oeq, %get3A_179, %eq3A_181 : vector<16xf32>
      %jit3A_183 = arith.constant 0 : i32
      %jit3A_184 = arith.constant 1 : i32
      %broadcast_in_dim3A_185 = vector.broadcast %jit3A_183 : i32 to vector<16xi32>
      %broadcast_in_dim3A_186 = vector.broadcast %jit3A_184 : i32 to vector<16xi32>
      %select_n3A_187 = arith.select %eq3A_182, %broadcast_in_dim3A_185, %broadcast_in_dim3A_186 : vector<16xi1>, vector<16xi32>
      %add3A_188 = arith.addi %add3A_170, %select_n3A_187 : vector<16xi32>
      %mul3A_189 = arith.constant 7 : i32
      %mul3A_190 = vector.broadcast %mul3A_189 : i32 to vector<16xi32>
      %mul3A_191 = arith.muli %mul3A_190, %select_n3A_187 : vector<16xi32>
      %add3A_192 = arith.addi %add3A_174, %mul3A_191 : vector<16xi32>
      %mul3A_193 = vector.broadcast %add3A_30 : i32 to vector<16xi32>
      %mul3A_194 = arith.muli %mul3A_193, %add3A_188 : vector<16xi32>
      %add3A_195 = arith.addi %scan3A_49, %mul3A_194 : vector<16xi32>
      %add3A_196 = arith.addi %add3A_195, %add3A_192 : vector<16xi32>
      %iota3A = tpu.iota {dimensions = array<i32: 0>} : vector<16xi32>
      %add3A_197 = vector.broadcast %mul3A_52 : i32 to vector<16xi32>
      %add3A_198 = arith.addi %iota3A, %add3A_197 : vector<16xi32>
      %mul3A_199 = arith.muli %add3A_188, %add3A_198 : vector<16xi32>
      %add3A_200 = arith.addi %scan3A_50, %mul3A_199 : vector<16xi32>
      scf.yield %add3A_196, %add3A_200 : vector<16xi32>, vector<16xi32>
    }
    %scan3A_36 = arith.constant 256 : i32
    %swap3A = arith.constant 0 : i32
    %swap3A_37 = arith.index_cast %swap3A : i32 to index
    %swap3A_38 = arith.constant 0 : index
    %swap3A_39 = tpu.vector_load %arg6[%swap3A_37, %swap3A_38] {strides = array<i32>} : memref<2x16xi32, #tpu.memory_space<vmem>>, vector<1x16xi32>,
    %swap3A_40 = vector.shape_cast %swap3A_39 : vector<1x16xi32> to vector<16xi32>
    %swap3A_41 = vector.shape_cast %scan3A_35#0 : vector<16xi32> to vector<1x16xi32>
    tpu.vector_store %arg6[%swap3A_37, %swap3A_38], %swap3A_41 {strides = array<i32>} : memref<2x16xi32, #tpu.memory_space<vmem>>, vector<1x16xi32>,
    %swap3A_42 = arith.constant 1 : i32
    %swap3A_43 = arith.index_cast %swap3A_42 : i32 to index
    %swap3A_44 = arith.constant 0 : index
    %swap3A_45 = tpu.vector_load %arg6[%swap3A_43, %swap3A_44] {strides = array<i32>} : memref<2x16xi32, #tpu.memory_space<vmem>>, vector<1x16xi32>,
    %swap3A_46 = vector.shape_cast %swap3A_45 : vector<1x16xi32> to vector<16xi32>
    %swap3A_47 = vector.shape_cast %scan3A_35#1 : vector<16xi32> to vector<1x16xi32>
    tpu.vector_store %arg6[%swap3A_43, %swap3A_44], %swap3A_47 {strides = array<i32>} : memref<2x16xi32, #tpu.memory_space<vmem>>, vector<1x16xi32>,
    "tpu.region"() ({
      %run_scoped3A = tpu.sem_alloc : memref<!tpu.dma_semaphore, #tpu.memory_space<semaphore_mem>>
      %dma_start3A_48 = arith.constant 0 : i32
      %dma_start3A_49 = arith.constant 0 : i32
      %dma_start3A_50 = tpu.memref_slice %arg3[%add3A, %dma_start3A_48, %dma_start3A_49] : memref<32x2x16xi32, #tpu.memory_space<hbm>> -> memref<1x2x16xi32, #tpu.memory_space<hbm>>
      %dma_start3A_51 = tpu.memref_squeeze %dma_start3A_50 : memref<1x2x16xi32, #tpu.memory_space<hbm>> -> memref<2x16xi32, #tpu.memory_space<hbm>>
      %dma_start3A_52 = arith.constant 0 : i32
      %dma_start3A_53 = arith.constant 0 : i32
      %dma_start3A_54 = tpu.memref_slice %arg3[%add3A, %dma_start3A_52, %dma_start3A_53] : memref<32x2x16xi32, #tpu.memory_space<hbm>> -> memref<1x2x16xi32, #tpu.memory_space<hbm>>
      %dma_start3A_55 = tpu.memref_squeeze %dma_start3A_54 : memref<1x2x16xi32, #tpu.memory_space<hbm>> -> memref<2x16xi32, #tpu.memory_space<hbm>>
      tpu.enqueue_dma source(%arg6 : memref<2x16xi32, #tpu.memory_space<vmem>>) target(%dma_start3A_55 : memref<2x16xi32, #tpu.memory_space<hbm>>) target_semaphore(%run_scoped3A : memref<!tpu.dma_semaphore, #tpu.memory_space<semaphore_mem>>)
      %dma_wait3A_56 = arith.constant 0 : i32
      %dma_wait3A_57 = arith.constant 0 : i32
      %dma_wait3A_58 = tpu.memref_slice %arg3[%add3A, %dma_wait3A_56, %dma_wait3A_57] : memref<32x2x16xi32, #tpu.memory_space<hbm>> -> memref<1x2x16xi32, #tpu.memory_space<hbm>>
      %dma_wait3A_59 = tpu.memref_squeeze %dma_wait3A_58 : memref<1x2x16xi32, #tpu.memory_space<hbm>> -> memref<2x16xi32, #tpu.memory_space<hbm>>
      %dma_wait3A_60 = arith.constant 0 : i32
      %dma_wait3A_61 = arith.constant 0 : i32
      %dma_wait3A_62 = tpu.memref_slice %arg3[%add3A, %dma_wait3A_60, %dma_wait3A_61] : memref<32x2x16xi32, #tpu.memory_space<hbm>> -> memref<1x2x16xi32, #tpu.memory_space<hbm>>
      %dma_wait3A_63 = tpu.memref_squeeze %dma_wait3A_62 : memref<1x2x16xi32, #tpu.memory_space<hbm>> -> memref<2x16xi32, #tpu.memory_space<hbm>>
      tpu.wait_dma2 semaphore(%run_scoped3A : memref<!tpu.dma_semaphore, #tpu.memory_space<semaphore_mem>>) src(%arg6 : memref<2x16xi32, #tpu.memory_space<vmem>>) dst(%dma_wait3A_63 : memref<2x16xi32, #tpu.memory_space<hbm>>)
      tpu.yield
    }) : () -> ()
    return
  }
}

module attributes {stable_mosaic.version = 14 : i64} {
  func.func @_tc_body(%arg0: i32, %arg1: memref<512x4096xf32, #tpu.memory_space<vmem>>, %arg2: memref<2xi32, #tpu.memory_space<smem>>) attributes {dimension_semantics = [#tpu.dimension_semantics<arbitrary>], iteration_bounds = array<i64: 7>, scalar_prefetch = 0 : i64, scratch_operands = 0 : i64, tpu.core_type = #tpu.core_type<tc>, window_params = [{transform_indices = @transform_0, window_bounds = array<i64: 512, 4096>}, {transform_indices = @transform_1, window_bounds = array<i64: 2>}]} {
    %get3A = arith.constant 0 : index
    %get3A_0 = arith.constant 0 : index
    %get3A_1 = vector.load %arg1[%get3A, %get3A_0] : memref<512x4096xf32, #tpu.memory_space<vmem>>, vector<512x4096xf32>
    %ne3A = arith.constant 0.000000e+00 : f32
    %ne3A_2 = vector.broadcast %ne3A : f32 to vector<512x4096xf32>
    %ne3A_3 = arith.cmpf one, %get3A_1, %ne3A_2 : vector<512x4096xf32>
    %convert_element_type3A = arith.extui %ne3A_3 : vector<512x4096xi1> to vector<512x4096xi32>
    %convert_element_type3A_4 = arith.sitofp %convert_element_type3A : vector<512x4096xi32> to vector<512x4096xf32>
    %iota3A = tpu.iota {dimensions = array<i32: 0>} : vector<2x512xi32>
    %eq3A = arith.constant 0 : i32
    %eq3A_5 = vector.broadcast %eq3A : i32 to vector<2x512xi32>
    %eq3A_6 = arith.cmpi eq, %iota3A, %eq3A_5 : vector<2x512xi32>
    %iota3A_7 = tpu.iota {dimensions = array<i32: 1>} : vector<2x512xi32>
    %convert_element_type3A_8 = arith.sitofp %iota3A_7 : vector<2x512xi32> to vector<2x512xf32>
    %jit3A = arith.constant 1.000000e+00 : f32
    %broadcast_in_dim3A = vector.broadcast %jit3A : f32 to vector<2x512xf32>
    %select_n3A = arith.select %eq3A_6, %convert_element_type3A_8, %broadcast_in_dim3A : vector<2x512xi1>, vector<2x512xf32>
    %dot_general3A = arith.constant dense<0.000000e+00> : vector<2x4096xf32>
    %dot_general3A_9 = tpu.matmul %select_n3A, %convert_element_type3A_4, %dot_general3A {dimension_numbers = #tpu.dot_dimension_numbers<[1], [0], [0], [1], [0, 0, 1, 1], [], []>, transpose_lhs_hint = false} : vector<2x512xf32>, vector<512x4096xf32>, vector<2x4096xf32> -> vector<2x4096xf32>
    %convert_element_type3A_10 = arith.fptosi %dot_general3A_9 : vector<2x4096xf32> to vector<2x4096xi32>
    %iota3A_11 = tpu.iota {dimensions = array<i32: 1>} : vector<1x4096xi32>
    %slice3A = vector.extract_strided_slice %convert_element_type3A_10 {offsets = [0, 0], sizes = [1, 4096], strides = [1, 1]} : vector<2x4096xi32> to vector<1x4096xi32>
    %reduce_sum3A = vector.shape_cast %slice3A : vector<1x4096xi32> to vector<1x1x4096xi32>
    %reduce_sum3A_12 = arith.constant dense<0> : vector<1xi32>
    %reduce_sum3A_13 = vector.multi_reduction <add>, %reduce_sum3A, %reduce_sum3A_12 [1, 2] : vector<1x1x4096xi32> to vector<1xi32>
    %reduce_sum3A_14 = vector.shape_cast %reduce_sum3A_13 : vector<1xi32> to vector<1x1x1xi32>
    %reduce_sum3A_15 = vector.extract %reduce_sum3A_14[0, 0, 0] : i32 from vector<1x1x1xi32>
    %slice3A_16 = vector.extract_strided_slice %convert_element_type3A_10 {offsets = [1, 0], sizes = [1, 4096], strides = [1, 1]} : vector<2x4096xi32> to vector<1x4096xi32>
    %reduce_sum3A_17 = vector.shape_cast %slice3A_16 : vector<1x4096xi32> to vector<1x1x4096xi32>
    %reduce_sum3A_18 = arith.constant dense<0> : vector<1xi32>
    %reduce_sum3A_19 = vector.multi_reduction <add>, %reduce_sum3A_17, %reduce_sum3A_18 [1, 2] : vector<1x1x4096xi32> to vector<1xi32>
    %reduce_sum3A_20 = vector.shape_cast %reduce_sum3A_19 : vector<1xi32> to vector<1x1x1xi32>
    %reduce_sum3A_21 = vector.extract %reduce_sum3A_20[0, 0, 0] : i32 from vector<1x1x1xi32>
    %mul3A = arith.constant 512 : i32
    %mul3A_22 = arith.muli %arg0, %mul3A : i32
    %add3A = arith.constant 512 : i32
    %add3A_23 = arith.addi %add3A, %mul3A_22 : i32
    %mul3A_24 = arith.muli %add3A_23, %reduce_sum3A_21 : i32
    %add3A_25 = arith.addi %reduce_sum3A_15, %mul3A_24 : i32
    %slice3A_26 = vector.extract_strided_slice %convert_element_type3A_10 {offsets = [1, 0], sizes = [1, 4096], strides = [1, 1]} : vector<2x4096xi32> to vector<1x4096xi32>
    %mul3A_27 = arith.muli %slice3A_26, %iota3A_11 : vector<1x4096xi32>
    %reduce_sum3A_28 = vector.shape_cast %mul3A_27 : vector<1x4096xi32> to vector<1x1x4096xi32>
    %reduce_sum3A_29 = arith.constant dense<0> : vector<1xi32>
    %reduce_sum3A_30 = vector.multi_reduction <add>, %reduce_sum3A_28, %reduce_sum3A_29 [1, 2] : vector<1x1x4096xi32> to vector<1xi32>
    %reduce_sum3A_31 = vector.shape_cast %reduce_sum3A_30 : vector<1xi32> to vector<1x1x1xi32>
    %reduce_sum3A_32 = vector.extract %reduce_sum3A_31[0, 0, 0] : i32 from vector<1x1x1xi32>
    %eq3A_33 = arith.constant 0 : i32
    %eq3A_34 = arith.cmpi eq, %arg0, %eq3A_33 : i32
    %convert_element_type3A_35 = arith.extui %eq3A_34 : i1 to i32
    %cond3A = arith.constant 0 : i32
    %cond3A_36 = arith.cmpi ne, %convert_element_type3A_35, %cond3A : i32
    scf.if %cond3A_36 {
      %swap3A_46 = arith.constant 0 : i32
      %swap3A_47 = arith.constant 0 : index
      %swap3A_48 = memref.load %arg2[%swap3A_47] : memref<2xi32, #tpu.memory_space<smem>>
      memref.store %swap3A_46, %arg2[%swap3A_47] : memref<2xi32, #tpu.memory_space<smem>>
      %swap3A_49 = arith.constant 0 : i32
      %swap3A_50 = arith.constant 1 : index
      %swap3A_51 = memref.load %arg2[%swap3A_50] : memref<2xi32, #tpu.memory_space<smem>>
      memref.store %swap3A_49, %arg2[%swap3A_50] : memref<2xi32, #tpu.memory_space<smem>>
    } else {
    }
    %get3A_37 = arith.constant 0 : index
    %get3A_38 = memref.load %arg2[%get3A_37] : memref<2xi32, #tpu.memory_space<smem>>
    %add3A_39 = arith.addi %get3A_38, %add3A_25 : i32
    %swap3A = arith.constant 0 : index
    %swap3A_40 = memref.load %arg2[%swap3A] : memref<2xi32, #tpu.memory_space<smem>>
    memref.store %add3A_39, %arg2[%swap3A] : memref<2xi32, #tpu.memory_space<smem>>
    %get3A_41 = arith.constant 1 : index
    %get3A_42 = memref.load %arg2[%get3A_41] : memref<2xi32, #tpu.memory_space<smem>>
    %add3A_43 = arith.addi %get3A_42, %reduce_sum3A_32 : i32
    %swap3A_44 = arith.constant 1 : index
    %swap3A_45 = memref.load %arg2[%swap3A_44] : memref<2xi32, #tpu.memory_space<smem>>
    memref.store %add3A_43, %arg2[%swap3A_44] : memref<2xi32, #tpu.memory_space<smem>>
    return
  }
  func.func @transform_0(%arg0: i32) -> (i32, i32) {
    %add3A = arith.constant 1 : i32
    %add3A_0 = arith.addi %arg0, %add3A : i32
    %c0_i32 = arith.constant 0 : i32
    %c0_i32_1 = arith.constant 0 : i32
    return %add3A_0, %c0_i32 : i32, i32
  }
  func.func @transform_1(%arg0: i32) -> i32 {
    %c0_i32 = arith.constant 0 : i32
    %c0_i32_0 = arith.constant 0 : i32
    return %c0_i32 : i32
  }
}

</mosaic_0001>

<sc_bundles>
// kernel: kernel.4.cloned.1.call-start
scs
__scs_entry_jumppad:
0x0: {  	(pc) =	sbr.rel $0x88, $3  }
0x1: {  	(tag) =	ssettag $0x0;
	lr =	simm.s32 $0x1  }
0x2: {  	[smem:$0x3FA0] =	sst lr;
	_ =	strace $0xD0000000  }
0x3: {  	_ = 	snop  }
0x4: {  	_ = 	snop  }
0x5: {  	_ = 	snop  }
0x6: {  	_ = 	snop  }
0x7: {  	_ = 	snop  }
__scs_overlays_trampoline_lowered:
0x8: {  	[smem:$0x3FAF] =	sst s0  }
0x9: {  	[smem:$0x3FB0] =	sst s1  }
0xa: {  	[smem:$0x3FB1] =	sst s2  }
0xb: {  	[smem:$0x3FB2] =	sst s3  }
0xc: {  	[smem:$0x3FB3] =	sst s4  }
0xd: {  	[smem:$0x3FB4] =	sst s5  }
0xe: {  	[smem:$0x3FB5] =	sst s6  }
0xf: {  	[smem:$0x3FB6] =	sst s7  }
0x10: {  	[smem:$0x3FB7] =	sst s8  }
0x11: {  	[smem:$0x3FB8] =	sst s9;
	s0 =	simm.s32 @!p0 $0x0  }
0x12: {  	s1 =	sld [smem:$0x3F9E];
	s0 =	simm.s32 @p0 $0x1  }
0x13: {  	[smem:$0x3FB9] =	sst s0;
	s0 =	simm.s32 @!p1 $0x0  }
0x14: {  	s2 =	sld [smem:$0x3F9D];
	s0 =	simm.s32 @p1 $0x1  }
0x15: {  	[smem:$0x3FBA] =	sst s0;
	s0 =	simm.s32 @!p2 $0x0  }
0x16: {  	s3 =	sld [smem:$0x3FDB];
	s0 =	simm.s32 @p2 $0x1  }
0x17: {  	s4 =	simm.s32 $0x1BF5;
	[smem:$0x3FBC] =	sst s0  }
0x18: {  	s0 =	sld [smem:$0x3F9F];
	_ =	swait.ge [sflag:s4], $0x0  }
0x19: {  	s7 =	sld [smem:$0x3FA0]  }
0x1a: {  	s8 =	sadd.s32 $0xFFFFE003, lr  }
0x1b: {  	s9 =	sadd.s32 $0xFFFFFEF7, lr;
	s5 =	simm.s32 $0xFFFFFFFF;
	p2 =	slt.u32 s8, $0xFFFFF086  }
0x1c: {  	p1 =	slt.u32 s9, $0xF7A;
	s5 =	simm.s32 @!p2 $0x0  }
0x1d: {  	s5 =	simm.s32 @p1 $0x1;
	p0 =	seq.s32 s7, s2  }
0x1e: {  	s7 =	smul.u32 @!p0 $0xF7A, s2;
	p2 =	seq.s32 @!p0 s5, $0x0  }
0x1f: {  	s9 =	smul.u32 $0xF7A, s1;
	s8 =	simm.s32 @!p0 $0x1BF5;
	p2 =	por !p2, p0  }
0x20: {  	[sflag:s8] =	ssyncset.s32 @!p0 $0xFFFFF086;
	s6 =	sadd.s32 @!p0 s3, s7;
	s7 =	simm.s32 @!p0 $0x108  }
0x21: {  	s3 =	sadd.s32 s3, s9;
	s6 =	sadd.s32 @!p0 $0x88, s6;
	s7 =	simm.s32 @p2 $0x1082  }
0x22: {  	[simem:s7], [sflag:s8] =	dma.local @!p0 [hbm:s6], $0xF7A  }
0x23: {  	s9 =	sor.u32 $0xD0000000, s2;
	s6 =	simm.s32 $0x108;
	_ =	swait.ge @!p0 [sflag:s8], $0x0  }
0x24: {  	s3 =	sadd.s32 $0x88, s3;
	s6 =	simm.s32 @!p1 $0x1082;
	[sflag:s4] =	ssyncset.s32 $0xFFFFF086  }
0x25: {  	[simem:s6], [sflag:s4] =	dma.local [hbm:s3], $0xF7A  }
0x26: {  	[smem:$0x3FA0] =	sst s1;
	(tag) =	ssettag s2;
	_ =	strace s9  }
0x27: {  	s1 =	sld [smem:$0x3FB0]  }
0x28: {  	s2 =	sld [smem:$0x3FB1]  }
0x29: {  	s4 =	sld [smem:$0x3FB3]  }
0x2a: {  	p0 =	seq.s32 s5, $0x0;
	s5 =	sld [smem:$0x3FB4]  }
0x2b: {  	s6 =	sld [smem:$0x3FB5]  }
0x2c: {  	s7 =	sld [smem:$0x3FB6]  }
0x2d: {  	s3 =	simm.s32 $0x108;
	s8 =	sld [smem:$0x3FB7]  }
0x2e: {  	s3 =	simm.s32 @!p0 $0x1082;
	s9 =	sld [smem:$0x3FB8]  }
0x2f: {  	lr =	sadd.s32 s0, s3;
	s0 =	sld [smem:$0x3FAF]  }
0x30: {  	s3 =	sld [smem:$0x3FB2]  }
0x31: {  	[smem:$0x3FBB] =	sst s10  }
0x32: {  	s10 =	sld [smem:$0x3FB9];
	_ =	sdelay $0x3  }
0x33: {  	p0 =	seq.s32 s10, $0x1;
	s10 =	sld [smem:$0x3FBB];
	_ =	sdelay $0x3  }
0x34: {  	[smem:$0x3FBB] =	sst s10  }
0x35: {  	s10 =	sld [smem:$0x3FBA];
	_ =	sdelay $0x3  }
0x36: {  	p1 =	seq.s32 s10, $0x1;
	s10 =	sld [smem:$0x3FBB];
	_ =	sdelay $0x3  }
0x37: {  	[smem:$0x3FBB] =	sst s10  }
0x38: {  	s10 =	sld [smem:$0x3FBC]  }
0x39: {  	_ = 	snop;
	(pc) =	sbr.ind lr, $3  }
0x3a: {  	_ = 	snop  }
0x3b: {  	_ = 	snop  }
0x3c: {  	p2 =	seq.s32 s10, $0x1;
	s10 =	sld [smem:$0x3FBB]  }
0x3d: {  	_ =	shalt  }
0x3e: {  	_ =	shalt  }
0x3f: {  	_ =	shalt  }
0x40: {  	_ =	shalt  }
0x41: {  	_ =	shalt  }
0x42: {  	_ =	shalt  }
0x43: {  	_ =	shalt  }
0x44: {  	_ =	shalt  }
0x45: {  	_ =	shalt  }
0x46: {  	_ =	shalt  }
0x47: {  	_ =	shalt  }
0x48: {  	_ =	shalt  }
0x49: {  	_ =	shalt  }
0x4a: {  	_ =	shalt  }
0x4b: {  	_ =	shalt  }
0x4c: {  	_ =	shalt  }
0x4d: {  	_ =	shalt  }
0x4e: {  	_ =	shalt  }
0x4f: {  	_ =	shalt  }
0x50: {  	_ =	shalt  }
0x51: {  	_ =	shalt  }
0x52: {  	_ =	shalt  }
0x53: {  	_ =	shalt  }
0x54: {  	_ =	shalt  }
0x55: {  	_ =	shalt  }
0x56: {  	_ =	shalt  }
0x57: {  	_ =	shalt  }
0x58: {  	_ =	shalt  }
0x59: {  	_ =	shalt  }
0x5a: {  	_ =	shalt  }
0x5b: {  	_ =	shalt  }
0x5c: {  	_ =	shalt  }
0x5d: {  	_ =	shalt  }
0x5e: {  	_ =	shalt  }
0x5f: {  	_ =	shalt  }
0x60: {  	_ =	shalt  }
0x61: {  	_ =	shalt  }
0x62: {  	_ =	shalt  }
0x63: {  	_ =	shalt  }
0x64: {  	_ =	shalt  }
0x65: {  	_ =	shalt  }
0x66: {  	_ =	shalt  }
0x67: {  	_ =	shalt  }
0x68: {  	_ =	shalt  }
0x69: {  	_ =	shalt  }
0x6a: {  	_ =	shalt  }
0x6b: {  	_ =	shalt  }
0x6c: {  	_ =	shalt  }
0x6d: {  	_ =	shalt  }
0x6e: {  	_ =	shalt  }
0x6f: {  	_ =	shalt  }
0x70: {  	_ =	shalt  }
0x71: {  	_ =	shalt  }
0x72: {  	_ =	shalt  }
0x73: {  	_ =	shalt  }
0x74: {  	_ =	shalt  }
0x75: {  	_ =	shalt  }
0x76: {  	_ =	shalt  }
0x77: {  	_ =	shalt  }
0x78: {  	_ =	shalt  }
0x79: {  	_ =	shalt  }
0x7a: {  	_ =	shalt  }
0x7b: {  	_ =	shalt  }
0x7c: {  	_ =	shalt  }
0x7d: {  	_ =	shalt  }
0x7e: {  	_ =	shalt  }
0x7f: {  	_ =	shalt  }
0x80: {  	_ =	shalt  }
0x81: {  	_ =	shalt  }
0x82: {  	_ =	shalt  }
0x83: {  	_ =	shalt  }
0x84: {  	_ =	shalt  }
0x85: {  	_ =	shalt  }
0x86: {  	_ =	shalt  }
0x87: {  	_ =	shalt  }
.Lfunc_end0:
.L_simem_size_0:
called_computation_lowered:
.L_overlay_start_0:
0x88: {  	s2 =	sld [smem:$0x3FD9]  }
0x89: {  	s3 =	sld [smem:$0x3FFE];
	_ =	sdelay $0x1  }
0x8a: {  	s1 =	srdreg.scid  }
0x8b: {  	s0 =	sand.u32 $0x1, s1  }
0x8c: {  	s17 =	sshll.u32 s0, $0xA;
	s2 =	sadd.s32 s3, s2  }
0x8d: {  	s2 =	sadd.s32 s2, s17  }
0x8e: {  	[smem:$0x3FC7] =	sst s2  }
0x8f: {  	_ = 	snop  }
0x90: {  	s2 =	sld [smem:$0x3FC9];
	(tm) =	ssettm $0x1  }
0x91: {  	s18 =	sld [smem:$0x3FFB];
	_ =	sdelay $0x3  }
0x92: {  	_ =	strace s18  }
0x93: {  	s3 =	sld [smem:$0x3FFC];
	_ =	sdelay $0x3  }
0x94: {  	_ =	strace s3  }
0x95: {  	s3 =	sld [smem:$0x3FFD];
	_ =	sdelay $0x3  }
0x96: {  	_ =	strace s3  }
0x97: {  	_ =	strace $0x8FFFFFFF  }
0x98: {  	s19 =	sld [smem:$0x3FDB];
	_ =	sdelay $0x1  }
0x99: {  	s4 =	simm.s32 $_scs_section_size  }
0x9a: {  	s5 =	simm.s32 $_size__tile_overlayer_lowered;
	s6 =	simm.s32 $_tile_overlayer_lowered  }
0x9b: {  	s22 =	simm.s32 $0x1BFF;
	s21 =	sshll.u32 s6, $0x1;
	s3 =	sadd.s32 s4, s19  }
0x9c: {  	s7 =	simm.s32 $0x0;
	s20 =	sshll.u32 s5, $0x1;
	s5 =	sadd.s32 s21, s3  }
0x9d: {  	[timem:s7], [sflag:s22] =	dma.local [hbm:s5], s20  }
0x9e: {  	_ =	swait.ge [sflag:s22], s20  }
0x9f: {  	s4 =	ssub.s32 $0x0, s20;
	[sflag:s22] =	ssyncset.done $0x0  }
0xa0: {  	[sflag:s22] =	ssyncadd.s32 s4;
	_ =	sdelay $0x1  }
0xa1: {  	s23 =	simm.s32 $0x1B8B  }
0xa2: {  	_ =	swait.ge [sflag:s23], $0x1  }
0xa3: {  	[sflag:s23] =	ssyncset.done $0x0  }
0xa4: {  	s25 =	simm.s32 $0x1B8E;
	s24 =	sld [smem:$0x3FFE];
	[sflag:s23] =	ssyncadd.s32 $0xFFFFFFFF  }
0xa5: {  	s26 =	simm.s32 $execute0_lowered;
	[smem:$0x3FD2] =	sst s25  }
0xa6: {  	s5 =	sshll.u32 s26, $0x1;
	_ =	strace $0x80000046;
	[dreg:$0x1] =	wrdreg $0xFFFFFFFF  }
0xa7: {  	s28 =	simm.s32 $_size_execute0_lowered;
	s3 =	sadd.s32 s3, s5;
	[dreg:$0x0] =	wrdreg $0x0  }
0xa8: {  	s5 =	sshll.u32 s28, $0x1;
	[dreg:$0x2] =	wrdreg s3  }
0xa9: {  	[dreg:$0x3] =	wrdreg s5  }
0xaa: {  	[dreg:$0x4] =	wrdreg $0xC0  }
0xab: {  	_ =	task [dreg:s7], $0x5FFFF  }
0xac: {  	[dreg:$0x1] =	wrdreg $0xFFFFFFFF  }
0xad: {  	[dreg:$0x0] =	wrdreg $0x60  }
0xae: {  	[dreg:$0x2] =	wrdreg s2  }
0xaf: {  	[dreg:$0x3] =	wrdreg s24  }
0xb0: {  	[dreg:$0x4] =	wrdreg $0x9  }
0xb1: {  	_ =	task.clear_ibuf [dreg:s7], $0x5FFFF;
	_ =	strace $0x90000046  }
0xb2: {  	s29 =	simm.s32 $0x9;
	_ =	strace $0x80000048  }
0xb3: {  	_ =	swait.ge [sflag:s29], $0x1  }
0xb4: {  	[sflag:s29] =	ssyncadd.s32 $0xFFFFFFFF  }
0xb5: {  	_ =	strace $0x90000048  }
0xb6: {  	_ =	sfence  }
0xb7: {  	s30 =	sld [smem:$0x0];
	_ =	sdelay $0x2  }
0xb8: {  	s31 =	sshll.u32 s1, $0xD;
	s1 =	sshrl.u32 s1, $0x2  }
0xb9: {  	s3 =	sand.u32 $0x4000, s31;
	s1 =	sadd.s32 s1, s30  }
0xba: {  	s0 =	sor.u32 s3, s0;
	s1 =	sshll.u32 s1, $0x11  }
0xbb: {  	s0 =	sor.u32 s1, s0  }
0xbc: {  	s0 =	sadd.s32 $0x8F2B, s0  }
0xbd: {  	[sflag:s0] =	ssyncadd.remote.s32 $0x1  }
0xbe: {  	_ =	sfence.sel $0xFFFF  }
0xbf: {  	[dreg:$0x0] =	wrdreg $0xFFFFFFFF;
	(pc) =	sbr.abs _section_cstart, $3  }
0xc0: {  	[dreg:$0x1] =	wrdreg $0xFFFFFFFF  }
0xc1: {  	_ =	task.clear_ibuf [dreg:s7], $0x2FFFF;
	_ =	strace $0x9FFFFFFF  }
0xc2: {  	(tm) =	ssettm $0x7FFFFFFF  }
0xc3: {  	_ =	shalt  }
tec
execute0_lowered:
.L_overlay_start_1:
0x0: {  	(tag) =	ssettag $0x1  }
0x1: {  	s4 =	rddreg [dreg:$0x0]  }
0x2: {  	s5 =	rddreg [dreg:$0x1]  }
0x3: {  	s0 =	rddreg [dreg:$0x2]  }
0x4: {  	s3 =	srdreg.scid;
	s1 =	stileid.u32  }
0x5: {  	s2 =	simm.s32 $0x0;
	s11 =	simm.s32 $0x3;
	s12 =	simm.s32 $0x0  }
0x6: {  	s3 =	sand.u32 $0x1, s3;
	s6 =	sshll.u32 s1, $0x1;
	[smem:$0x7FF] =	sst s2  }
0x7: {  	s7 =	ssub.s32 $0x2, s3;
	s6 =	sor.u32 s3, s6;
	_ =	strace $0x80000047  }
0x8: {  	s30 =	sshrl.u32 s7, $0x1;
	s8 =	sshll.u32 s6, $0x4;
	s31 =	sshll.u32 s6, $0xD  }
0x9: {  	s6 =	sshll.u32 s6, $0x5;
	s7 =	ssub.s32 s7, s30;
	s10 =	sor.u32 $0x8, s8  }
0xa: {  	s3 =	sadd.s32 s4, s31;
	s5 =	sadd.s32 s5, s6;
	v0 =	vmov s8;
	s8 =	simm.s32 $0x1  }
0xb: {  	s9 =	sshll.u32 s10, $0x9;
	s6 =	smax.u32 s7, $0x1;
	s7 =	simm.s32 $0x8000  }
0xc: {  	v2 =	vimm.s32 $0x0;
	v3 =	vlaneseq.u32;
	v1 =	vmov s10;
	s10 =	simm.s32 $0x10000;
	s4 =	sadd.s32 s4, s9;
	s9 =	simm.s32 $0x2  }
.LBB2_1:
0xd: {  	[tilespmem:s2], [sflag:$0x1] =	stream.linear.gather [hbm4b:s3+s2], $0x8000, $0x38;
	[tilespmem:$0x10100] =	vst v63  }
0xe: {  	_ = 	snop  }
0xf: {  	[tilespmem:s7], [sflag:$0x2] =	stream.linear.gather [hbm4b:s4+s2], $0x8000, $0x38;
	[tilespmem:$0x10100] =	vst v63  }
0x10: {  	_ =	swait.ge [sflag:s8], $0x8000  }
0x11: {  	s13 =	sand.u32 $0x70, s2;
	s14 =	sand.u32 $0x7C00, s2;
	[sflag:s8] =	ssyncset.done $0x0  }
0x12: {  	s13 =	sor.u32 s13, s14;
	[sflag:s8] =	ssyncadd.s32 $0xFFFF8000  }
0x13: {  	v4 =	vld [tilespmem:s13+$0x300]  }
0x14: {  	v5 =	vld [tilespmem:s13+$0x280]  }
0x15: {  	v6 =	vld [tilespmem:s13+$0x200]  }
0x16: {  	v7 =	vld [tilespmem:s13+$0x180]  }
0x17: {  	v8 =	vld [tilespmem:s13+$0x100]  }
0x18: {  	v9 =	vld [tilespmem:s13+$0x0]  }
0x19: {  	v10 =	vld [tilespmem:s13+$0x80];
	_ =	sdelay $0x1  }
0x1a: {  	s25 =	sand.u32 $0x7, s2;
	s15 =	simm.s32 $0x10;
	s26 =	simm.s32 $0x80  }
0x1b: {  	v11 =	vor.u32 s2, v3;
	s16 =	sand.u32 $0x70, s15;
	s14 =	sand.u32 $0x7C00, s26;
	s13 =	sshll.u32 s25, $0x4;
	vm1 =	vne.f32 v6, $0.0e+00;
	vm2 =	vne.f32 v5, $0.0e+00  }
0x1c: {  	s28 =	sor.u32 s16, s14;
	s13 =	sadd.s32 $0x0, s13;
	vm0 =	vne.f32 v4, $0.0e+00;
	vm3 =	vne.f32 v9, $0.0e+00;
	vm4 =	vne.f32 v8, $0.0e+00  }
0x1d: {  	v13 =	vld [tilespmem:s28+$0x300];
	s13 =	sor.u32 $0x380, s13;
	vm5 =	vne.f32 v7, $0.0e+00;
	vm6 =	vne.f32 v10, $0.0e+00;
	v4 =	vsel vm1, $0x4, v2  }
0x1e: {  	v9 =	vld [tilespmem:s13+$0x0];
	v5 =	vsel vm2, $0x5, v2;
	v6 =	vsel vm3, $0x1, v2;
	v7 =	vsel vm6, $0x1, v2  }
0x1f: {  	v15 =	vld [tilespmem:s28+$0x280];
	v8 =	vsel vm0, $0x1, v2;
	v10 =	vsel vm4, $0x1, v2;
	v6 =	vadd.s32 v6, v7  }
0x20: {  	v14 =	vsel vm5, $0x1, v2;
	v7 =	vadd.s32 v7, v2;
	v6 =	vadd.s32 v10, v6  }
0x21: {  	v10 =	vsel vm4, $0x2, v2;
	v6 =	vadd.s32 v14, v6;
	v14 =	vsel vm1, $0x1, v2  }
0x22: {  	v16 =	vld [tilespmem:s28+$0x200];
	v12 =	vsel vm5, $0x3, v2;
	v7 =	vadd.s32 v10, v7;
	v6 =	vadd.s32 v14, v6  }
0x23: {  	v10 =	vld [tilespmem:s28+$0x180];
	v14 =	vsel vm2, $0x1, v2;
	vm1 =	vne.f32 v9, $0.0e+00;
	v7 =	vadd.s32 v12, v7  }
0x24: {  	s14 =	simm.s32 $0x1;
	v9 =	vld [tilespmem:s28+$0x100];
	v12 =	vsel vm0, $0x6, v2;
	vm2 =	vne.f32 v15, $0.0e+00;
	vm0 =	vne.f32 v13, $0.0e+00  }
0x25: {  	s29 =	sand.u32 $0x7, s14;
	v6 =	vadd.s32 v14, v6;
	v4 =	vadd.s32 v4, v7;
	v7 =	vld [tilespmem:s28+$0x0];
	v13 =	vsel vm0, $0x1, v2  }
0x26: {  	s13 =	sshll.u32 s29, $0x4;
	v6 =	vadd.s32 v8, v6;
	v8 =	vsel vm1, $0x1, v2;
	v4 =	vadd.s32 v5, v4;
	v5 =	vld [tilespmem:s28+$0x80]  }
0x27: {  	s30 =	sadd.s32 $0x80, s13;
	v6 =	vadd.s32 v8, v6;
	v8 =	vsel vm1, $0x7, v2;
	v4 =	vadd.s32 v12, v4  }
0x28: {  	s31 =	sor.u32 $0x380, s30;
	vm1 =	vne.f32 v16, $0.0e+00;
	v14 =	vmul.u32 v0, v6;
	v8 =	vadd.s32 v8, v4  }
0x29: {  	v12 =	vld [tilespmem:s31+$0x0];
	v4 =	vmul.u32 v11, v6;
	v6 =	vor.u32 s15, v3;
	vm14 =	vne.f32 v10, $0.0e+00  }
0x2a: {  	v16 =	vsel vm1, $0x1, v2;
	vm13 =	vne.f32 v9, $0.0e+00;
	v11 =	vadd.s32 v14, v8  }
0x2b: {  	s13 =	simm.s32 $0x20;
	s15 =	simm.s32 $0x100;
	vm3 =	vne.f32 v7, $0.0e+00;
	v9 =	vsel vm13, $0x1, v2;
	vm15 =	vne.f32 v5, $0.0e+00  }
0x2c: {  	s17 =	sand.u32 $0x70, s13;
	s18 =	sand.u32 $0x7C00, s15;
	v14 =	vsel vm14, $0x1, v2;
	v7 =	vsel vm3, $0x1, v2;
	v10 =	vsel vm15, $0x1, v2  }
0x2d: {  	s17 =	sor.u32 s17, s18;
	v15 =	vsel vm13, $0x2, v2;
	v5 =	vsel vm1, $0x4, v2;
	v7 =	vadd.s32 v7, v10  }
0x2e: {  	vm1 =	vne.f32 v12, $0.0e+00;
	v12 =	vld [tilespmem:s17+$0x100];
	v10 =	vadd.s32 v10, v11;
	v9 =	vadd.s32 v9, v7  }
0x2f: {  	v17 =	vsel vm14, $0x3, v2;
	v11 =	vld [tilespmem:s17+$0x200];
	v15 =	vadd.s32 v15, v10;
	v14 =	vadd.s32 v14, v9  }
0x30: {  	v7 =	vld [tilespmem:s17+$0x300];
	v15 =	vadd.s32 v17, v15;
	v14 =	vadd.s32 v16, v14;
	v16 =	vsel vm2, $0x1, v2  }
0x31: {  	v8 =	vsel vm2, $0x5, v2;
	v10 =	vld [tilespmem:s17+$0x180];
	v15 =	vadd.s32 v5, v15;
	v14 =	vadd.s32 v16, v14  }
0x32: {  	s16 =	simm.s32 $0x30;
	v9 =	vld [tilespmem:s17+$0x280];
	v5 =	vimm.s32 $0x0;
	v13 =	vadd.s32 v13, v14;
	v14 =	vsel vm1, $0x1, v2  }
.LBB2_2:
0x33: {  	p0 =	sne.s32 s16, $0xFF0;
	v16 =	vld [tilespmem:s17+$0x0];
	v17 =	vsel vm0, $0x6, v2;
	v13 =	vadd.s32 v14, v13;
	v8 =	vadd.s32 v8, v15  }
0x34: {  	v15 =	vsel vm1, $0x7, v2;
	v14 =	vld [tilespmem:s17+$0x80];
	v18 =	vmul.u32 v0, v13;
	v8 =	vadd.s32 v17, v8  }
0x35: {  	s14 =	sadd.s32 $0x1, s14;
	v5 =	vadd.s32 v5, v4;
	v4 =	vmul.u32 v6, v13;
	v8 =	vadd.s32 v15, v8  }
0x36: {  	s17 =	sand.u32 $0x7, s14;
	v6 =	vor.u32 s13, v3;
	s13 =	smov.u32 s16;
	v13 =	vadd.s32 v18, v8  }
0x37: {  	vm0 =	vne.f32 v7, $0.0e+00;
	vm1 =	vne.f32 v9, $0.0e+00;
	s17 =	sshll.u32 s17, $0x4;
	vm2 =	vne.f32 v11, $0.0e+00  }
0x38: {  	s17 =	sadd.s32 s17, s15;
	vm5 =	vne.f32 v10, $0.0e+00;
	vm4 =	vne.f32 v12, $0.0e+00;
	vm3 =	vne.f32 v16, $0.0e+00  }
0x39: {  	v15 =	vsel vm2, $0x4, v2;
	v8 =	vsel vm1, $0x5, v2;
	s15 =	sadd.s32 $0x80, s15;
	s17 =	sor.u32 $0x380, s17;
	vm6 =	vne.f32 v14, $0.0e+00  }
0x3a: {  	s18 =	sand.u32 $0x70, s16;
	s19 =	sand.u32 $0x7C00, s15;
	v7 =	vsel vm3, $0x1, v2;
	v14 =	vsel vm0, $0x1, v2;
	v10 =	vsel vm6, $0x1, v2;
	v12 =	vld [tilespmem:s17+$0x0]  }
0x3b: {  	v11 =	vsel vm4, $0x1, v2;
	v16 =	vsel vm5, $0x3, v2;
	s17 =	sor.u32 s18, s19;
	v9 =	vadd.s32 v7, v10  }
.Ltmp0:
0x3c: {  	v18 =	vsel vm5, $0x1, v2;
	v17 =	vsel vm4, $0x2, v2;
	v7 =	vld [tilespmem:s17+$0x300];
	v11 =	vadd.s32 v11, v9;
	(pc) =	sbr.rel @p0 .LBB2_2-.Ltmp0, $4  }
0x3d: {  	v19 =	vsel vm2, $0x1, v2;
	v10 =	vadd.s32 v10, v13;
	v9 =	vld [tilespmem:s17+$0x280];
	v18 =	vadd.s32 v18, v11  }
0x3e: {  	v17 =	vadd.s32 v17, v10;
	v11 =	vld [tilespmem:s17+$0x200];
	v13 =	vadd.s32 v19, v18;
	v18 =	vsel vm1, $0x1, v2  }
0x3f: {  	v16 =	vadd.s32 v16, v17;
	v10 =	vld [tilespmem:s17+$0x180];
	v13 =	vadd.s32 v18, v13;
	vm1 =	vne.f32 v12, $0.0e+00  }
0x40: {  	s16 =	sadd.s32 $0x10, s16;
	v15 =	vadd.s32 v15, v16;
	v12 =	vld [tilespmem:s17+$0x100];
	v13 =	vadd.s32 v14, v13;
	v14 =	vsel vm1, $0x1, v2  }
0x41: {  	v16 =	vld [tilespmem:s17+$0x0];
	v17 =	vsel vm0, $0x6, v2;
	v13 =	vadd.s32 v14, v13;
	v8 =	vadd.s32 v8, v15  }
0x42: {  	s14 =	sadd.s32 $0x1, s14;
	v14 =	vld [tilespmem:s17+$0x80];
	v15 =	vsel vm1, $0x7, v2;
	vm0 =	vne.f32 v7, $0.0e+00;
	v4 =	vadd.s32 v5, v4  }
0x43: {  	v5 =	vor.u32 s13, v3;
	v18 =	vmul.u32 v0, v13;
	v8 =	vadd.s32 v17, v8;
	s14 =	sand.u32 $0x7, s14  }
0x44: {  	v6 =	vmul.u32 v6, v13;
	vm2 =	vne.f32 v9, $0.0e+00;
	v8 =	vadd.s32 v15, v8;
	s14 =	sshll.u32 s14, $0x4  }
0x45: {  	v13 =	vsel vm0, $0x1, v2;
	vm1 =	vne.f32 v11, $0.0e+00;
	v8 =	vadd.s32 v18, v8;
	s14 =	sadd.s32 s14, s15  }
0x46: {  	vm5 =	vne.f32 v10, $0.0e+00;
	v9 =	vsel vm1, $0x4, v2;
	v10 =	vsel vm2, $0x5, v2;
	s14 =	sor.u32 $0x380, s14  }
0x47: {  	s21 =	simm.s32 $0x0;
	v4 =	vadd.s32 v4, v6;
	vm3 =	vne.f32 v16, $0.0e+00;
	v7 =	vld [tilespmem:s14+$0x0];
	vm6 =	vne.f32 v14, $0.0e+00;
	_ =	swait.ge [sflag:s9], $0x8000  }
0x48: {  	s22 =	sand.u32 $0x70, s21;
	s16 =	sand.u32 $0x7C00, s21;
	vm4 =	vne.f32 v12, $0.0e+00;
	v11 =	vsel vm3, $0x1, v2;
	v12 =	vsel vm6, $0x1, v2;
	[sflag:s9] =	ssyncset.done $0x0  }
0x49: {  	s15 =	sor.u32 s22, s16;
	v15 =	vsel vm5, $0x3, v2;
	v14 =	vsel vm4, $0x1, v2;
	v11 =	vadd.s32 v11, v12;
	[sflag:s9] =	ssyncadd.s32 $0xFFFF8000  }
0x4a: {  	v16 =	vsel vm5, $0x1, v2;
	v8 =	vadd.s32 v12, v8;
	v11 =	vadd.s32 v14, v11;
	v17 =	vld [tilespmem:s15+$0x8300]  }
0x4b: {  	v14 =	vsel vm4, $0x2, v2;
	v12 =	vld [tilespmem:s15+$0x8280];
	v11 =	vadd.s32 v16, v11;
	v16 =	vsel vm1, $0x1, v2  }
0x4c: {  	v8 =	vadd.s32 v14, v8;
	v14 =	vld [tilespmem:s15+$0x8200];
	v11 =	vadd.s32 v16, v11;
	v16 =	vsel vm2, $0x1, v2  }
0x4d: {  	vm1 =	vne.f32 v7, $0.0e+00;
	v7 =	vadd.s32 v15, v8;
	v8 =	vld [tilespmem:s15+$0x8180];
	v11 =	vadd.s32 v16, v11  }
0x4e: {  	v7 =	vadd.s32 v9, v7;
	v9 =	vld [tilespmem:s15+$0x8100];
	v11 =	vadd.s32 v13, v11;
	v13 =	vsel vm1, $0x1, v2  }
0x4f: {  	v15 =	vsel vm0, $0x6, v2;
	v7 =	vadd.s32 v10, v7;
	v10 =	vld [tilespmem:s15+$0x8000];
	v11 =	vadd.s32 v13, v11  }
0x50: {  	v13 =	vsel vm1, $0x7, v2;
	v7 =	vadd.s32 v15, v7;
	v15 =	vld [tilespmem:s15+$0x8080];
	vm2 =	vne.f32 v12, $0.0e+00  }
0x51: {  	s23 =	sand.u32 $0x7, s21;
	vm0 =	vne.f32 v17, $0.0e+00;
	v16 =	vmul.u32 v0, v11;
	v7 =	vadd.s32 v13, v7  }
0x52: {  	s13 =	sshll.u32 s23, $0x4;
	v5 =	vmul.u32 v5, v11;
	vm1 =	vne.f32 v14, $0.0e+00;
	v11 =	vsel vm0, $0x1, v2  }
0x53: {  	s24 =	simm.s32 $0x10;
	s25 =	simm.s32 $0x80;
	s13 =	sadd.s32 $0x0, s13;
	vm11 =	vne.f32 v8, $0.0e+00;
	v8 =	vsel vm2, $0x5, v2;
	v6 =	vadd.s32 v16, v7  }
0x54: {  	s26 =	sand.u32 $0x70, s24;
	s16 =	sand.u32 $0x7C00, s25;
	s13 =	sor.u32 $0x380, s13;
	vm10 =	vne.f32 v9, $0.0e+00;
	v7 =	vsel vm1, $0x4, v2;
	v14 =	vsel vm11, $0x3, v2  }
0x55: {  	s28 =	sor.u32 s26, s16;
	v12 =	vld [tilespmem:s13+$0x8000];
	v16 =	vsel vm11, $0x1, v2;
	vm3 =	vne.f32 v10, $0.0e+00;
	vm12 =	vne.f32 v15, $0.0e+00  }
0x56: {  	v17 =	vld [tilespmem:s28+$0x8280];
	v4 =	vadd.s32 v4, v5;
	v9 =	vsel vm3, $0x1, v2;
	v10 =	vsel vm12, $0x1, v2  }
0x57: {  	v5 =	vor.u32 s21, v3;
	v13 =	vsel vm10, $0x1, v2;
	v15 =	vld [tilespmem:s28+$0x8300];
	v9 =	vadd.s32 v9, v10  }
0x58: {  	v6 =	vadd.s32 v10, v6;
	v9 =	vadd.s32 v13, v9;
	v13 =	vsel vm10, $0x2, v2  }
0x59: {  	v10 =	vld [tilespmem:s28+$0x8200];
	v9 =	vadd.s32 v16, v9;
	v16 =	vsel vm1, $0x1, v2;
	v6 =	vadd.s32 v13, v6  }
0x5a: {  	v13 =	vld [tilespmem:s28+$0x8180];
	vm1 =	vne.f32 v12, $0.0e+00;
	v9 =	vadd.s32 v16, v9;
	v16 =	vsel vm2, $0x1, v2  }
0x5b: {  	v12 =	vld [tilespmem:s28+$0x8100];
	v6 =	vadd.s32 v14, v6;
	v14 =	vsel vm0, $0x6, v2;
	vm2 =	vne.f32 v17, $0.0e+00  }
0x5c: {  	vm0 =	vne.f32 v15, $0.0e+00;
	v9 =	vadd.s32 v16, v9;
	v6 =	vadd.s32 v7, v6;
	v7 =	vld [tilespmem:s28+$0x8000]  }
0x5d: {  	s13 =	simm.s32 $0x1;
	v9 =	vadd.s32 v11, v9;
	v11 =	vsel vm1, $0x1, v2;
	v6 =	vadd.s32 v8, v6;
	v8 =	vld [tilespmem:s28+$0x8080]  }
0x5e: {  	s29 =	sand.u32 $0x7, s13;
	v63 =	vsel vm2, $0x1, v2;
	v9 =	vadd.s32 v11, v9;
	v11 =	vsel vm1, $0x7, v2  }
0x5f: {  	s14 =	sshll.u32 s29, $0x4;
	v6 =	vadd.s32 v14, v6;
	vm1 =	vne.f32 v10, $0.0e+00;
	v16 =	vmul.u32 v1, v9  }
0x60: {  	s14 =	sadd.s32 $0x80, s14;
	v11 =	vadd.s32 v11, v6;
	v5 =	vmul.u32 v5, v9;
	v6 =	vor.u32 s24, v3  }
0x61: {  	s30 =	sor.u32 $0x380, s14;
	vm13 =	vne.f32 v12, $0.0e+00;
	vm14 =	vne.f32 v13, $0.0e+00;
	v15 =	vsel vm1, $0x4, v2  }
0x62: {  	s15 =	simm.s32 $0x20;
	s14 =	simm.s32 $0x100;
	v13 =	vsel vm0, $0x1, v2;
	v12 =	vld [tilespmem:s30+$0x8000];
	vm3 =	vne.f32 v7, $0.0e+00;
	vm15 =	vne.f32 v8, $0.0e+00  }
0x63: {  	s31 =	sand.u32 $0x70, s15;
	s18 =	sand.u32 $0x7C00, s14;
	v62 =	vsel vm1, $0x1, v2;
	v7 =	vsel vm3, $0x1, v2;
	v10 =	vsel vm15, $0x1, v2  }
0x64: {  	s17 =	sor.u32 s31, s18;
	v14 =	vsel vm13, $0x1, v2;
	v17 =	vsel vm13, $0x2, v2;
	v9 =	vadd.s32 v7, v10  }
0x65: {  	v61 =	vsel vm14, $0x1, v2;
	v11 =	vadd.s32 v16, v11;
	v7 =	vld [tilespmem:s17+$0x8300];
	v14 =	vadd.s32 v14, v9  }
0x66: {  	v16 =	vsel vm14, $0x3, v2;
	v10 =	vadd.s32 v10, v11;
	v11 =	vld [tilespmem:s17+$0x8200];
	v14 =	vadd.s32 v61, v14  }
0x67: {  	vm1 =	vne.f32 v12, $0.0e+00;
	v12 =	vld [tilespmem:s17+$0x8100];
	v17 =	vadd.s32 v17, v10;
	v14 =	vadd.s32 v62, v14  }
0x68: {  	v8 =	vsel vm2, $0x5, v2;
	v9 =	vld [tilespmem:s17+$0x8280];
	v16 =	vadd.s32 v16, v17;
	v14 =	vadd.s32 v63, v14  }
0x69: {  	s16 =	simm.s32 $0x30;
	v10 =	vld [tilespmem:s17+$0x8180];
	v15 =	vadd.s32 v15, v16;
	v13 =	vadd.s32 v13, v14;
	v14 =	vsel vm1, $0x1, v2  }
.LBB2_4:
0x6a: {  	p0 =	sne.s32 s16, $0xFF0;
	v16 =	vld [tilespmem:s17+$0x8000];
	v17 =	vsel vm0, $0x6, v2;
	v13 =	vadd.s32 v14, v13;
	v8 =	vadd.s32 v8, v15  }
0x6b: {  	v15 =	vsel vm1, $0x7, v2;
	v14 =	vld [tilespmem:s17+$0x8080];
	v18 =	vmul.u32 v1, v13;
	v8 =	vadd.s32 v17, v8  }
0x6c: {  	s13 =	sadd.s32 $0x1, s13;
	v4 =	vadd.s32 v4, v5;
	v5 =	vmul.u32 v6, v13;
	v8 =	vadd.s32 v15, v8  }
0x6d: {  	s17 =	sand.u32 $0x7, s13;
	v6 =	vor.u32 s15, v3;
	s15 =	smov.u32 s16;
	v13 =	vadd.s32 v18, v8  }
0x6e: {  	vm0 =	vne.f32 v7, $0.0e+00;
	vm1 =	vne.f32 v9, $0.0e+00;
	s17 =	sshll.u32 s17, $0x4;
	vm2 =	vne.f32 v11, $0.0e+00  }
0x6f: {  	s17 =	sadd.s32 s17, s14;
	vm5 =	vne.f32 v10, $0.0e+00;
	vm4 =	vne.f32 v12, $0.0e+00;
	vm3 =	vne.f32 v16, $0.0e+00  }
0x70: {  	v15 =	vsel vm2, $0x4, v2;
	v8 =	vsel vm1, $0x5, v2;
	s14 =	sadd.s32 $0x80, s14;
	s17 =	sor.u32 $0x380, s17;
	vm6 =	vne.f32 v14, $0.0e+00  }
0x71: {  	s18 =	sand.u32 $0x70, s16;
	s19 =	sand.u32 $0x7C00, s14;
	v7 =	vsel vm3, $0x1, v2;
	v14 =	vsel vm0, $0x1, v2;
	v10 =	vsel vm6, $0x1, v2;
	v12 =	vld [tilespmem:s17+$0x8000]  }
0x72: {  	v11 =	vsel vm4, $0x1, v2;
	v16 =	vsel vm5, $0x3, v2;
	s17 =	sor.u32 s18, s19;
	v9 =	vadd.s32 v7, v10  }
.Ltmp1:
0x73: {  	v18 =	vsel vm5, $0x1, v2;
	v17 =	vsel vm4, $0x2, v2;
	v7 =	vld [tilespmem:s17+$0x8300];
	v11 =	vadd.s32 v11, v9;
	(pc) =	sbr.rel @p0 .LBB2_4-.Ltmp1, $4  }
0x74: {  	v19 =	vsel vm2, $0x1, v2;
	v10 =	vadd.s32 v10, v13;
	v9 =	vld [tilespmem:s17+$0x8280];
	v18 =	vadd.s32 v18, v11  }
0x75: {  	v17 =	vadd.s32 v17, v10;
	v11 =	vld [tilespmem:s17+$0x8200];
	v13 =	vadd.s32 v19, v18;
	v18 =	vsel vm1, $0x1, v2  }
0x76: {  	v16 =	vadd.s32 v16, v17;
	v10 =	vld [tilespmem:s17+$0x8180];
	v13 =	vadd.s32 v18, v13;
	vm1 =	vne.f32 v12, $0.0e+00  }
0x77: {  	s16 =	sadd.s32 $0x10, s16;
	v15 =	vadd.s32 v15, v16;
	v12 =	vld [tilespmem:s17+$0x8100];
	v13 =	vadd.s32 v14, v13;
	v14 =	vsel vm1, $0x1, v2  }
0x78: {  	v16 =	vld [tilespmem:s17+$0x8000];
	v17 =	vsel vm0, $0x6, v2  }
0x79: {  	v13 =	vadd.s32 v14, v13;
	v8 =	vadd.s32 v8, v15;
	v46 =	vld [tilespmem:s17+$0x8080];
	v47 =	vsel vm1, $0x7, v2  }
0x7a: {  	s13 =	sadd.s32 $0x1, s13;
	v48 =	vor.u32 s15, v3;
	vm2 =	vne.f32 v7, $0.0e+00;
	v18 =	vmul.u32 v1, v13  }
0x7b: {  	v8 =	vadd.s32 v17, v8;
	v6 =	vmul.u32 v6, v13;
	s13 =	sand.u32 $0x7, s13;
	vm14 =	vne.f32 v9, $0.0e+00  }
0x7c: {  	v54 =	vsel vm2, $0x1, v2;
	v8 =	vadd.s32 v47, v8;
	s13 =	sshll.u32 s13, $0x4;
	vm13 =	vne.f32 v11, $0.0e+00  }
0x7d: {  	v53 =	vsel vm14, $0x5, v2;
	v59 =	vsel vm14, $0x1, v2;
	v8 =	vadd.s32 v18, v8;
	s13 =	sadd.s32 s13, s14  }
0x7e: {  	vm6 =	vne.f32 v10, $0.0e+00;
	s13 =	sor.u32 $0x380, s13;
	vm3 =	vne.f32 v16, $0.0e+00;
	vm5 =	vne.f32 v46, $0.0e+00  }
0x7f: {  	vm4 =	vne.f32 v12, $0.0e+00;
	v52 =	vld [tilespmem:s13+$0x8000];
	v49 =	vsel vm3, $0x1, v2;
	v50 =	vsel vm5, $0x1, v2  }
0x80: {  	v51 =	vsel vm13, $0x4, v2;
	v12 =	vsel vm4, $0x1, v2;
	v7 =	vadd.s32 v49, v50  }
0x81: {  	v58 =	vsel vm13, $0x1, v2;
	v57 =	vsel vm6, $0x1, v2;
	v7 =	vadd.s32 v12, v7  }
0x82: {  	v56 =	vsel vm4, $0x2, v2;
	v8 =	vadd.s32 v50, v8;
	v7 =	vadd.s32 v57, v7  }
0x83: {  	v55 =	vsel vm6, $0x3, v2;
	v8 =	vadd.s32 v56, v8;
	v7 =	vadd.s32 v58, v7  }
0x84: {  	v8 =	vadd.s32 v55, v8;
	vm15 =	vne.f32 v52, $0.0e+00;
	v7 =	vadd.s32 v59, v7  }
0x85: {  	v8 =	vadd.s32 v51, v8;
	v60 =	vsel vm15, $0x1, v2;
	v7 =	vadd.s32 v54, v7  }
0x86: {  	v61 =	vsel vm2, $0x6, v2;
	v8 =	vadd.s32 v53, v8;
	v7 =	vadd.s32 v60, v7  }
0x87: {  	v62 =	vsel vm15, $0x7, v2;
	v8 =	vadd.s32 v61, v8;
	v63 =	vmul.u32 v1, v7  }
0x88: {  	v4 =	vadd.s32 v4, v5;
	v5 =	vadd.s32 v62, v8;
	v7 =	vmul.u32 v48, v7  }
0x89: {  	s12 =	sadd.s32 $0x1, s12;
	v4 =	vadd.s32 v4, v6;
	v5 =	vadd.s32 v63, v5  }
0x8a: {  	p0 =	sne.s32 s12, s6;
	v4 =	vadd.s32 v4, v7;
	[tilespmem:$0x10000] =	vst v5  }
.Ltmp2:
0x8b: {  	[tilespmem:$0x10080] =	vst v4;
	(pc) =	sbr.rel @p0 .LBB2_1-.Ltmp2, $4  }
0x8c: {  	[hbm4b:s5+s2] =	stream.linear.scatter [tilespmem:s10], [sflag:$0x3], $0x100, $0x38;
	[tilespmem:$0x10100] =	vst v63  }
0x8d: {  	_ =	swait.ge [sflag:s11], $0x100  }
0x8e: {  	[sflag:s11] =	ssyncset.done $0x0  }
0x8f: {  	[sflag:s11] =	ssyncadd.s32 $0xFFFFFF00  }
0x90: {  	_ =	sfence.sel $0x180000  }
0x91: {  	[bflag:$0x0] =	sbarrier.arrive $0xFFFF  }
0x92: {  	p0 =	sne.s32 s1, $0x0;
	_ =	strace $0x90000047  }
0x93: {  	s0 =	sadd.s32 @!p0 $0x100000, s0;
	[bflag:$0x2] =	sbarrier.arrive $0xFFFF  }
0x94: {  	[sflag:s0] =	ssyncadd.tile.s32 @!p0 $0x1;
	_ =	shalt  }
.Lfunc_end2:
_tile_overlayer_lowered:
.L_overlay_start_2:
0x95: {  	(tag) =	ssettag $0x2  }
0x96: {  	s0 =	rddreg [dreg:$0x0];
	s2 =	stileid.u32  }
0x97: {  	s1 =	rddreg [dreg:$0x1];
	p0 =	sne.s32 s2, $0x0  }
0x98: {  	s3 =	rddreg [dreg:$0x2];
	[bflag:$0x3] =	sbarrier.arrive $0xFFFF;
	s2 =	simm.s32 @!p0 $0x1C03  }
0x99: {  	[timem:s3], [sflag:s2] =	dma.local @!p0 [hbm:s0], s1  }
0x9a: {  	s0 =	simm.s32 @!p0 $0x3  }
0x9b: {  	_ =	swait.ge @!p0 [sflag:s0], s1  }
0x9c: {  	s1 =	ssub.s32 @!p0 $0x0, s1;
	[sflag:s0] =	ssyncset.done @!p0 $0x0  }
0x9d: {  	[sflag:s0] =	ssyncadd.s32 @!p0 s1  }
0x9e: {  	[bflag:$0x3] =	sbarrier.arrive $0xFFFF  }
0x9f: {  	_ =	shalt  }

</sc_bundles>
